<compile_context>
chip_gen: v7x
topology: tpu7x:2x2x1
jax: 0.10.2.dev20260603
libtpu: 0.0.44.dev20260713+nightly
codegen_flags: <defaults>
</compile_context>

<pallas_src>
import functools

import jax
import jax.numpy as jnp
from jax import lax
from jax.experimental import pallas as pl
from jax.experimental.pallas import tpu as pltpu
from jax.experimental.pallas import tpu_sc as plsc

E = 64
H = 1024
F = 512
T = 4096
CAP = 128
BT = 512
NB = T // BT
SENT = E * CAP
GRID_E = 66
SLOTS = GRID_E * CAP

NC, NS = 2, 16
NW = NC * NS



def _router_body(x_ref, rw_ref, slot_ref, prob_ref, counts_ref):
    b = pl.program_id(0)

    @pl.when(b == 0)
    def _():
        counts_ref[...] = jnp.zeros_like(counts_ref)

    x = x_ref[...]
    rw = rw_ref[...]
    logits = lax.dot_general(
        rw, x, dimension_numbers=(((0,), (1,)), ((), ())),
        preferred_element_type=jnp.float32)
    m = jnp.max(logits, axis=0, keepdims=True)
    denom = jnp.sum(jnp.exp(logits - m), axis=0)
    prob = 1.0 / denom

    ids = lax.broadcasted_iota(jnp.int32, (E, BT), 0)
    is_max = logits == m
    expert = jnp.min(jnp.where(is_max, ids, E), axis=0)
    onehot = (ids == expert[None, :]).astype(jnp.float32)

    tj = lax.broadcasted_iota(jnp.int32, (BT, BT), 0)
    ti = lax.broadcasted_iota(jnp.int32, (BT, BT), 1)
    tri = (tj < ti).astype(jnp.float32)
    rank_mat = jnp.dot(onehot, tri, preferred_element_type=jnp.float32)
    rank = jnp.sum(rank_mat * onehot, axis=0)
    base = jnp.sum(counts_ref[...] * onehot, axis=0)
    pos = base + rank
    valid = pos < CAP
    slot = jnp.where(valid, expert * CAP + pos.astype(jnp.int32), SENT)
    counts_ref[...] = counts_ref[...] + jnp.sum(onehot, axis=1, keepdims=True)

    slot_ref[...] = slot
    prob_ref[...] = prob


def _router(hidden, rw):
    return pl.pallas_call(
        _router_body,
        grid=(NB,),
        in_specs=[
            pl.BlockSpec((BT, H), lambda b: (b, 0)),
            pl.BlockSpec((H, E), lambda b: (0, 0)),
        ],
        out_specs=[
            pl.BlockSpec((BT,), lambda b: (b,)),
            pl.BlockSpec((BT,), lambda b: (b,)),
        ],
        out_shape=[
            jax.ShapeDtypeStruct((T,), jnp.int32),
            jax.ShapeDtypeStruct((T,), jnp.float32),
        ],
        scratch_shapes=[pltpu.VMEM((E, 1), jnp.float32)],
    )(hidden, rw)



def _mesh():
    return plsc.VectorSubcoreMesh(
        core_axis_name="c", subcore_axis_name="s", num_cores=NC, num_subcores=NS
    )


@functools.cache
def _build_tables_kernel():
    @functools.partial(
        pl.kernel,
        out_type=(
            jax.ShapeDtypeStruct((SLOTS,), jnp.int32),
            jax.ShapeDtypeStruct((SLOTS,), jnp.float32),
        ),
        mesh=_mesh(),
        compiler_params=pltpu.CompilerParams(needs_layout_passes=False),
        scratch_types=[
            pltpu.VMEM((T,), jnp.int32),
            pltpu.VMEM((T,), jnp.float32),
            pltpu.VMEM((SLOTS,), jnp.int32),
            pltpu.VMEM((SLOTS,), jnp.float32),
        ],
    )
    def _build_tables(slot_hbm, prob_hbm, idx_hbm, pbuf_hbm,
                      slot_v, prob_v, idx_v, pbuf_v):
        wid = lax.axis_index("s") * NC + lax.axis_index("c")

        @pl.when(wid == 0)
        def _():
            pltpu.sync_copy(slot_hbm, slot_v)
            pltpu.sync_copy(prob_hbm, prob_v)

            zf = jnp.zeros((16,), jnp.float32)

            def init(i, carry):
                idx_v[pl.ds(i * 16, 16)] = (lax.iota(jnp.int32, 16) + i * 16) & (T - 1)
                pbuf_v[pl.ds(i * 16, 16)] = zf
                return carry

            lax.fori_loop(0, SLOTS // 16, init, 0)

            def body(i, carry):
                s = slot_v[pl.ds(i * 16, 16)]
                p = prob_v[pl.ds(i * 16, 16)]
                t = lax.iota(jnp.int32, 16) + i * 16
                msk = s < SENT
                plsc.store_scatter(idx_v, [s], t, mask=msk)
                plsc.store_scatter(pbuf_v, [s], p, mask=msk)
                return carry

            lax.fori_loop(0, T // 16, body, 0)
            pltpu.sync_copy(idx_v, idx_hbm)
            pltpu.sync_copy(pbuf_v, pbuf_hbm)

    return _build_tables



D_CHUNK = 48
D_NCHUNK = SLOTS // D_CHUNK
D_ROUNDS = (D_NCHUNK + NW - 1) // NW


@functools.cache
def _dispatch_kernel():
    @functools.partial(
        pl.kernel,
        out_type=jax.ShapeDtypeStruct((SLOTS, H), jnp.float32),
        mesh=_mesh(),
        compiler_params=pltpu.CompilerParams(needs_layout_passes=False),
        scratch_types=[
            pltpu.VMEM((D_CHUNK,), jnp.int32),
            pltpu.VMEM((D_CHUNK, H), jnp.float32),
            pltpu.VMEM((D_CHUNK, H), jnp.float32),
            pltpu.SemaphoreType.DMA,
            pltpu.SemaphoreType.DMA,
            pltpu.SemaphoreType.DMA,
            pltpu.SemaphoreType.DMA,
        ],
    )
    def _dispatch(idx_hbm, hid_hbm, xbuf_hbm, idx_v, rows_a, rows_b,
                  gsem_a, gsem_b, wsem_a, wsem_b):
        wid = lax.axis_index("s") * NC + lax.axis_index("c")
        rows = (rows_a, rows_b)
        gsem = (gsem_a, gsem_b)
        wsem = (wsem_a, wsem_b)

        def cid(j):
            return j * NW + wid

        def valid(j):
            return cid(j) < D_NCHUNK

        def start_gather(j):
            pltpu.sync_copy(idx_hbm.at[pl.ds(cid(j) * D_CHUNK, D_CHUNK)], idx_v)
            pltpu.make_async_copy(
                hid_hbm.at[idx_v], rows[j & 1], gsem[j & 1]).start()

        def wait_gather(j):
            pltpu.make_async_copy(
                hid_hbm.at[idx_v], rows[j & 1], gsem[j & 1]).wait()

        def start_wb(j):
            pltpu.make_async_copy(
                rows[j & 1], xbuf_hbm.at[pl.ds(cid(j) * D_CHUNK, D_CHUNK)],
                wsem[j & 1]).start()

        def wait_wb(j):
            pltpu.make_async_copy(
                rows[j & 1], xbuf_hbm.at[pl.ds(cid(j) * D_CHUNK, D_CHUNK)],
                wsem[j & 1]).wait()

        pl.when(valid(0))(lambda: start_gather(0))
        for j in range(D_ROUNDS):
            pl.when(valid(j))(lambda j=j: wait_gather(j))
            if j + 1 < D_ROUNDS:
                def _pref(j=j):
                    if j + 1 >= 2:
                        wait_wb(j - 1)
                    start_gather(j + 1)
                pl.when(valid(j + 1))(_pref)
            pl.when(valid(j))(lambda j=j: start_wb(j))
        @pl.when(valid(D_ROUNDS - 1))
        def _():
            wait_wb(D_ROUNDS - 1)
            wait_wb(D_ROUNDS - 2)

        @pl.when(jnp.logical_not(valid(D_ROUNDS - 1)))
        def _():
            wait_wb(D_ROUNDS - 2)
            wait_wb(D_ROUNDS - 3)

    return _dispatch




EPB = 2


def _expert_body(x_ref, w1_ref, w2_ref, p_ref, y_ref):
    for k in range(EPB):
        r = pl.ds(k * CAP, CAP)
        c = pl.ds(k * F, F)
        x = x_ref[r, :]
        h = jnp.dot(x, w1_ref[:, c], preferred_element_type=jnp.float32)
        a = h * lax.logistic(h)
        y = jnp.dot(a, w2_ref[c, :], preferred_element_type=jnp.float32)
        p = p_ref[r].reshape(CAP, 1)
        y_ref[r, :] = y * p


def _expert_gemms(xbuf, w1, w2, pbuf_col):
    return pl.pallas_call(
        _expert_body,
        grid=(GRID_E // EPB,),
        in_specs=[
            pl.BlockSpec((EPB * CAP, H), lambda e: (e, 0)),
            pl.BlockSpec((H, EPB * F), lambda e: (0, jnp.minimum(e, E // EPB - 1))),
            pl.BlockSpec((EPB * F, H), lambda e: (jnp.minimum(e, E // EPB - 1), 0)),
            pl.BlockSpec((EPB * CAP,), lambda e: (e,)),
        ],
        out_specs=pl.BlockSpec((EPB * CAP, H), lambda e: (e, 0)),
        out_shape=jax.ShapeDtypeStruct((SLOTS, H), jnp.float32),
    )(xbuf, w1, w2, pbuf_col)



C_CHUNK = 32
C_NCHUNK = T // C_CHUNK
C_ROUNDS = C_NCHUNK // NW


@functools.cache
def _combine_kernel():
    @functools.partial(
        pl.kernel,
        out_type=jax.ShapeDtypeStruct((T, H), jnp.float32),
        mesh=_mesh(),
        compiler_params=pltpu.CompilerParams(needs_layout_passes=False),
        scratch_types=[
            pltpu.VMEM((C_CHUNK,), jnp.int32),
            pltpu.VMEM((C_CHUNK, H), jnp.float32),
            pltpu.VMEM((C_CHUNK, H), jnp.float32),
            pltpu.SemaphoreType.DMA,
            pltpu.SemaphoreType.DMA,
            pltpu.SemaphoreType.DMA,
            pltpu.SemaphoreType.DMA,
        ],
    )
    def _combine(slot_hbm, ybuf_hbm, out_hbm, slot_v, rows_a, rows_b,
                 gsem_a, gsem_b, wsem_a, wsem_b):
        wid = lax.axis_index("s") * NC + lax.axis_index("c")
        rows = (rows_a, rows_b)
        gsem = (gsem_a, gsem_b)
        wsem = (wsem_a, wsem_b)

        def base(j):
            return (j * NW + wid) * C_CHUNK

        def start_gather(j):
            pltpu.sync_copy(slot_hbm.at[pl.ds(base(j), C_CHUNK)], slot_v)
            pltpu.make_async_copy(
                ybuf_hbm.at[slot_v], rows[j & 1], gsem[j & 1]).start()

        def wait_gather(j):
            pltpu.make_async_copy(
                ybuf_hbm.at[slot_v], rows[j & 1], gsem[j & 1]).wait()

        def start_wb(j):
            pltpu.make_async_copy(
                rows[j & 1], out_hbm.at[pl.ds(base(j), C_CHUNK)],
                wsem[j & 1]).start()

        def wait_wb(j):
            pltpu.make_async_copy(
                rows[j & 1], out_hbm.at[pl.ds(base(j), C_CHUNK)],
                wsem[j & 1]).wait()

        start_gather(0)
        for j in range(C_ROUNDS):
            wait_gather(j)
            if j + 1 < C_ROUNDS:
                if j + 1 >= 2:
                    wait_wb(j - 1)
                start_gather(j + 1)
            start_wb(j)
        wait_wb(C_ROUNDS - 1)
        wait_wb(C_ROUNDS - 2)

    return _combine




def kernel(hidden_states, router_weight, weight1, weight2):
    slot, prob = _router(hidden_states, router_weight)
    idx, pbuf = _build_tables_kernel()(slot, prob)
    xbuf = _dispatch_kernel()(idx, hidden_states)
    ybuf = _expert_gemms(xbuf, weight1, weight2, pbuf)
    return _combine_kernel()(slot, ybuf)

# --- scband reference (transcript-rebuilt; emitter-appended) ---
"""Pipeline reference for scband-mo-elayer-67903432950547 (READ-ONLY COPY).

The authoritative reference and input builder live on the scoring server;
editing this copy changes nothing except your own understanding.
"""

import jax, jax.numpy as jnp
import numpy as np

NUM_EXPERTS = 64
TOP_K = 1
D_MODEL = 1024
D_FF = 512
NUM_TOKENS = 4096
CAPACITY = 128  # generous; expected tokens/expert = 64, overflow prob negligible


def setup_inputs(seed: int = 0) -> dict:
    key = jax.random.key(seed)
    k1, k2, k3, k4 = jax.random.split(key, 4)
    hidden_states = jax.random.normal(k1, (NUM_TOKENS, D_MODEL), dtype=jnp.float32)
    router_weight = jax.random.normal(k2, (D_MODEL, NUM_EXPERTS), dtype=jnp.float32) * 0.02
    weight1 = jax.random.normal(k3, (D_MODEL, D_FF * NUM_EXPERTS), dtype=jnp.float32) * 0.02
    weight2 = jax.random.normal(k4, (D_FF * NUM_EXPERTS, D_MODEL), dtype=jnp.float32) * 0.02
    return {"hidden_states": hidden_states, "router_weight": router_weight,
            "weight1": weight1, "weight2": weight2}


def _moe_forward(hidden_states, router_weight, weight1, weight2):
    T, H = hidden_states.shape
    TK = T * TOP_K
    # ---- router_forward: logits -> softmax -> top_k ----
    router_logits = hidden_states @ router_weight                      # [T, E]
    router_probs = jax.nn.softmax(router_logits, axis=-1)              # [T, E]
    top_probs, top_indices = jax.lax.top_k(router_probs, TOP_K)        # [T, K]
    # ---- permute tokens expert-major (sorted by expert id, stable) ----
    flat_expert = top_indices.reshape(-1)                              # [T*K], token-major pairs
    flat_probs = top_probs.reshape(-1)
    sorted_indices = jnp.argsort(flat_expert)                          # stable sort
    restore_indices = jnp.argsort(sorted_indices)
    token_of_pair = sorted_indices // TOP_K
    permuted_tokens = hidden_states[token_of_pair]                     # [T*K, H] (dispatch gather)
    permuted_probs = flat_probs[sorted_indices]
    sorted_expert = flat_expert[sorted_indices]
    # ---- position within each expert group -> capacity slot ----
    counts = jnp.bincount(flat_expert, length=NUM_EXPERTS)             # tokens_per_expert
    group_start = jnp.cumsum(counts) - counts
    pos = jnp.arange(TK) - group_start[sorted_expert]
    valid = pos < CAPACITY
    slot = jnp.where(valid, sorted_expert * CAPACITY + pos, NUM_EXPERTS * CAPACITY)
    # ---- dispatch (scatter into per-expert buffers) ----
    buf = jnp.zeros((NUM_EXPERTS * CAPACITY + 1, H), dtype=hidden_states.dtype)
    buf = buf.at[slot].set(permuted_tokens)
    xbuf = buf[:NUM_EXPERTS * CAPACITY].reshape(NUM_EXPERTS, CAPACITY, H)
    # ---- expert FC1 + act + FC2 (grouped GEMMs) ----
    w1 = weight1.reshape(H, NUM_EXPERTS, D_FF).transpose(1, 0, 2)      # [E, H, D_FF]
    w2 = weight2.reshape(NUM_EXPERTS, D_FF, H)                         # [E, D_FF, H]
    act = jax.nn.silu(jnp.einsum('ech,ehf->ecf', xbuf, w1))
    ybuf = jnp.einsum('ecf,efh->ech', act, w2).reshape(NUM_EXPERTS * CAPACITY, H)
    ybuf = jnp.concatenate([ybuf, jnp.zeros((1, H), dtype=ybuf.dtype)], axis=0)
    # ---- combine (gather back), apply probs, restore token order ----
    combined_output = ybuf[slot] * valid[:, None].astype(ybuf.dtype)
    weighted_output = combined_output * permuted_probs[:, None].astype(combined_output.dtype)
    restored_output = weighted_output[restore_indices]
    output = restored_output.reshape(T, TOP_K, H).sum(axis=1)
    return output


def reference(hidden_states, router_weight, weight1, weight2):
    return _moe_forward(hidden_states, router_weight, weight1, weight2)

if __name__ == "__main__":
    import jax
    _d = setup_inputs()
    print(jax.jit(kernel)(*tuple(_d.values())))

</pallas_src>

<mosaic_0001>
#map = affine_map<(d0, d1) -> (0)>
#map1 = affine_map<(d0, d1) -> (0, 0)>
module attributes {stable_mosaic.version = 14 : i64} {
  func.func @_dispatch(%arg0: i32, %arg1: i32, %arg2: memref<8448xi32, #tpu.memory_space<hbm>>, %arg3: memref<4096x1024xf32, #tpu.memory_space<hbm>>, %arg4: memref<8448x1024xf32, #tpu.memory_space<hbm>>, %arg5: memref<48xi32, #tpu.memory_space<vmem>>, %arg6: memref<48x1024xf32, #tpu.memory_space<vmem>>, %arg7: memref<48x1024xf32, #tpu.memory_space<vmem>>, %arg8: memref<!tpu.dma_semaphore, #tpu.memory_space<semaphore_mem>>, %arg9: memref<!tpu.dma_semaphore, #tpu.memory_space<semaphore_mem>>, %arg10: memref<!tpu.dma_semaphore, #tpu.memory_space<semaphore_mem>>, %arg11: memref<!tpu.dma_semaphore, #tpu.memory_space<semaphore_mem>>) attributes {dimension_semantics = [#tpu.dimension_semantics<core_parallel>, #tpu.dimension_semantics<subcore_parallel>], iteration_bounds = array<i64: 2, 16>, scalar_prefetch = 0 : i64, scratch_operands = 7 : i64, tpu.core_type = #tpu.core_type<sc_vector_subcore>, window_params = [{transform_indices = #map}, {transform_indices = #map1}, {transform_indices = #map1}]} {
    %mul3A = arith.constant 2 : i32
    %mul3A_0 = arith.muli %arg1, %mul3A : i32
    %add3A = arith.addi %mul3A_0, %arg0 : i32
    %add3A_1 = arith.constant 0 : i32
    %add3A_2 = arith.addi %add3A_1, %add3A : i32
    %lt3A = arith.constant 176 : i32
    %lt3A_3 = arith.cmpi slt, %add3A_2, %lt3A : i32
    %convert_element_type3A = arith.extui %lt3A_3 : i1 to i32
    %cond3A = arith.constant 0 : i32
    %cond3A_4 = arith.cmpi ne, %convert_element_type3A, %cond3A : i32
    scf.if %cond3A_4 {
      %add3A_139 = arith.constant 0 : i32
      %add3A_140 = arith.addi %add3A_139, %add3A : i32
      %mul3A_141 = arith.constant 48 : i32
      %mul3A_142 = arith.muli %add3A_140, %mul3A_141 : i32
      "tpu.region"() ({
        %run_scoped3A = tpu.sem_alloc : memref<!tpu.dma_semaphore, #tpu.memory_space<semaphore_mem>>
        %dma_start3A_145 = tpu.memref_slice %arg2[%mul3A_142] : memref<8448xi32, #tpu.memory_space<hbm>> -> memref<48xi32, #tpu.memory_space<hbm>>
        %dma_start3A_146 = tpu.memref_slice %arg2[%mul3A_142] : memref<8448xi32, #tpu.memory_space<hbm>> -> memref<48xi32, #tpu.memory_space<hbm>>
        tpu.enqueue_dma source(%dma_start3A_146 : memref<48xi32, #tpu.memory_space<hbm>>) target(%arg5 : memref<48xi32, #tpu.memory_space<vmem>>) target_semaphore(%run_scoped3A : memref<!tpu.dma_semaphore, #tpu.memory_space<semaphore_mem>>)
        %dma_wait3A = tpu.memref_slice %arg2[%mul3A_142] : memref<8448xi32, #tpu.memory_space<hbm>> -> memref<48xi32, #tpu.memory_space<hbm>>
        %dma_wait3A_147 = tpu.memref_slice %arg2[%mul3A_142] : memref<8448xi32, #tpu.memory_space<hbm>> -> memref<48xi32, #tpu.memory_space<hbm>>
        tpu.wait_dma2 semaphore(%run_scoped3A : memref<!tpu.dma_semaphore, #tpu.memory_space<semaphore_mem>>) src(%dma_wait3A_147 : memref<48xi32, #tpu.memory_space<hbm>>) dst(%arg5 : memref<48xi32, #tpu.memory_space<vmem>>)
        tpu.yield
      }) : () -> ()
      %dma_start3A = arith.constant 0 : i32
      %dma_start3A_143 = arith.constant 0 : i32
      %dma_start3A_144 = tpu.memref_slice %arg3[%dma_start3A, %dma_start3A_143] : memref<4096x1024xf32, #tpu.memory_space<hbm>> -> memref<4096x1024xf32, #tpu.memory_space<hbm>>
      tpu.enqueue_indirect_dma source(%dma_start3A_144 : memref<4096x1024xf32, #tpu.memory_space<hbm>>) target(%arg6 : memref<48x1024xf32, #tpu.memory_space<vmem>>) offsets(%arg5 : memref<48xi32, #tpu.memory_space<vmem>>) semaphore(%arg8 : memref<!tpu.dma_semaphore, #tpu.memory_space<semaphore_mem>>)
    } else {
    }
    %add3A_5 = arith.constant 0 : i32
    %add3A_6 = arith.addi %add3A_5, %add3A : i32
    %lt3A_7 = arith.constant 176 : i32
    %lt3A_8 = arith.cmpi slt, %add3A_6, %lt3A_7 : i32
    %convert_element_type3A_9 = arith.extui %lt3A_8 : i1 to i32
    %cond3A_10 = arith.constant 0 : i32
    %cond3A_11 = arith.cmpi ne, %convert_element_type3A_9, %cond3A_10 : i32
    scf.if %cond3A_11 {
      %dma_wait3A = arith.constant 0 : i32
      %dma_wait3A_139 = arith.constant 0 : i32
      %dma_wait3A_140 = tpu.memref_slice %arg3[%dma_wait3A, %dma_wait3A_139] : memref<4096x1024xf32, #tpu.memory_space<hbm>> -> memref<4096x1024xf32, #tpu.memory_space<hbm>>
      tpu.wait_indirect_dma semaphore(%arg8 : memref<!tpu.dma_semaphore, #tpu.memory_space<semaphore_mem>>) src(%dma_wait3A_140 : memref<4096x1024xf32, #tpu.memory_space<hbm>>) dst(%arg6 : memref<48x1024xf32, #tpu.memory_space<vmem>>)
    } else {
    }
    %add3A_12 = arith.constant 32 : i32
    %add3A_13 = arith.addi %add3A_12, %add3A : i32
    %lt3A_14 = arith.constant 176 : i32
    %lt3A_15 = arith.cmpi slt, %add3A_13, %lt3A_14 : i32
    %convert_element_type3A_16 = arith.extui %lt3A_15 : i1 to i32
    %cond3A_17 = arith.constant 0 : i32
    %cond3A_18 = arith.cmpi ne, %convert_element_type3A_16, %cond3A_17 : i32
    scf.if %cond3A_18 {
      %add3A_139 = arith.constant 32 : i32
      %add3A_140 = arith.addi %add3A_139, %add3A : i32
      %mul3A_141 = arith.constant 48 : i32
      %mul3A_142 = arith.muli %add3A_140, %mul3A_141 : i32
      "tpu.region"() ({
        %run_scoped3A = tpu.sem_alloc : memref<!tpu.dma_semaphore, #tpu.memory_space<semaphore_mem>>
        %dma_start3A_145 = tpu.memref_slice %arg2[%mul3A_142] : memref<8448xi32, #tpu.memory_space<hbm>> -> memref<48xi32, #tpu.memory_space<hbm>>
        %dma_start3A_146 = tpu.memref_slice %arg2[%mul3A_142] : memref<8448xi32, #tpu.memory_space<hbm>> -> memref<48xi32, #tpu.memory_space<hbm>>
        tpu.enqueue_dma source(%dma_start3A_146 : memref<48xi32, #tpu.memory_space<hbm>>) target(%arg5 : memref<48xi32, #tpu.memory_space<vmem>>) target_semaphore(%run_scoped3A : memref<!tpu.dma_semaphore, #tpu.memory_space<semaphore_mem>>)
        %dma_wait3A = tpu.memref_slice %arg2[%mul3A_142] : memref<8448xi32, #tpu.memory_space<hbm>> -> memref<48xi32, #tpu.memory_space<hbm>>
        %dma_wait3A_147 = tpu.memref_slice %arg2[%mul3A_142] : memref<8448xi32, #tpu.memory_space<hbm>> -> memref<48xi32, #tpu.memory_space<hbm>>
        tpu.wait_dma2 semaphore(%run_scoped3A : memref<!tpu.dma_semaphore, #tpu.memory_space<semaphore_mem>>) src(%dma_wait3A_147 : memref<48xi32, #tpu.memory_space<hbm>>) dst(%arg5 : memref<48xi32, #tpu.memory_space<vmem>>)
        tpu.yield
      }) : () -> ()
      %dma_start3A = arith.constant 0 : i32
      %dma_start3A_143 = arith.constant 0 : i32
      %dma_start3A_144 = tpu.memref_slice %arg3[%dma_start3A, %dma_start3A_143] : memref<4096x1024xf32, #tpu.memory_space<hbm>> -> memref<4096x1024xf32, #tpu.memory_space<hbm>>
      tpu.enqueue_indirect_dma source(%dma_start3A_144 : memref<4096x1024xf32, #tpu.memory_space<hbm>>) target(%arg7 : memref<48x1024xf32, #tpu.memory_space<vmem>>) offsets(%arg5 : memref<48xi32, #tpu.memory_space<vmem>>) semaphore(%arg9 : memref<!tpu.dma_semaphore, #tpu.memory_space<semaphore_mem>>)
    } else {
    }
    %add3A_19 = arith.constant 0 : i32
    %add3A_20 = arith.addi %add3A_19, %add3A : i32
    %lt3A_21 = arith.constant 176 : i32
    %lt3A_22 = arith.cmpi slt, %add3A_20, %lt3A_21 : i32
    %convert_element_type3A_23 = arith.extui %lt3A_22 : i1 to i32
    %cond3A_24 = arith.constant 0 : i32
    %cond3A_25 = arith.cmpi ne, %convert_element_type3A_23, %cond3A_24 : i32
    scf.if %cond3A_25 {
      %add3A_139 = arith.constant 0 : i32
      %add3A_140 = arith.addi %add3A_139, %add3A : i32
      %mul3A_141 = arith.constant 48 : i32
      %mul3A_142 = arith.muli %add3A_140, %mul3A_141 : i32
      %dma_start3A = arith.constant 0 : i32
      %dma_start3A_143 = tpu.memref_slice %arg4[%mul3A_142, %dma_start3A] : memref<8448x1024xf32, #tpu.memory_space<hbm>> -> memref<48x1024xf32, #tpu.memory_space<hbm>>
      %dma_start3A_144 = arith.constant 0 : i32
      %dma_start3A_145 = tpu.memref_slice %arg4[%mul3A_142, %dma_start3A_144] : memref<8448x1024xf32, #tpu.memory_space<hbm>> -> memref<48x1024xf32, #tpu.memory_space<hbm>>
      tpu.enqueue_dma source(%arg6 : memref<48x1024xf32, #tpu.memory_space<vmem>>) target(%dma_start3A_145 : memref<48x1024xf32, #tpu.memory_space<hbm>>) target_semaphore(%arg10 : memref<!tpu.dma_semaphore, #tpu.memory_space<semaphore_mem>>)
    } else {
    }
    %add3A_26 = arith.constant 32 : i32
    %add3A_27 = arith.addi %add3A_26, %add3A : i32
    %lt3A_28 = arith.constant 176 : i32
    %lt3A_29 = arith.cmpi slt, %add3A_27, %lt3A_28 : i32
    %convert_element_type3A_30 = arith.extui %lt3A_29 : i1 to i32
    %cond3A_31 = arith.constant 0 : i32
    %cond3A_32 = arith.cmpi ne, %convert_element_type3A_30, %cond3A_31 : i32
    scf.if %cond3A_32 {
      %dma_wait3A = arith.constant 0 : i32
      %dma_wait3A_139 = arith.constant 0 : i32
      %dma_wait3A_140 = tpu.memref_slice %arg3[%dma_wait3A, %dma_wait3A_139] : memref<4096x1024xf32, #tpu.memory_space<hbm>> -> memref<4096x1024xf32, #tpu.memory_space<hbm>>
      tpu.wait_indirect_dma semaphore(%arg9 : memref<!tpu.dma_semaphore, #tpu.memory_space<semaphore_mem>>) src(%dma_wait3A_140 : memref<4096x1024xf32, #tpu.memory_space<hbm>>) dst(%arg7 : memref<48x1024xf32, #tpu.memory_space<vmem>>)
    } else {
    }
    %add3A_33 = arith.constant 64 : i32
    %add3A_34 = arith.addi %add3A_33, %add3A : i32
    %lt3A_35 = arith.constant 176 : i32
    %lt3A_36 = arith.cmpi slt, %add3A_34, %lt3A_35 : i32
    %convert_element_type3A_37 = arith.extui %lt3A_36 : i1 to i32
    %cond3A_38 = arith.constant 0 : i32
    %cond3A_39 = arith.cmpi ne, %convert_element_type3A_37, %cond3A_38 : i32
    scf.if %cond3A_39 {
      %add3A_139 = arith.constant 0 : i32
      %add3A_140 = arith.addi %add3A_139, %add3A : i32
      %mul3A_141 = arith.constant 48 : i32
      %mul3A_142 = arith.muli %add3A_140, %mul3A_141 : i32
      %dma_wait3A = arith.constant 0 : i32
      %dma_wait3A_143 = tpu.memref_slice %arg4[%mul3A_142, %dma_wait3A] : memref<8448x1024xf32, #tpu.memory_space<hbm>> -> memref<48x1024xf32, #tpu.memory_space<hbm>>
      %dma_wait3A_144 = arith.constant 0 : i32
      %dma_wait3A_145 = tpu.memref_slice %arg4[%mul3A_142, %dma_wait3A_144] : memref<8448x1024xf32, #tpu.memory_space<hbm>> -> memref<48x1024xf32, #tpu.memory_space<hbm>>
      tpu.wait_dma2 semaphore(%arg10 : memref<!tpu.dma_semaphore, #tpu.memory_space<semaphore_mem>>) src(%arg6 : memref<48x1024xf32, #tpu.memory_space<vmem>>) dst(%dma_wait3A_145 : memref<48x1024xf32, #tpu.memory_space<hbm>>)
      %add3A_146 = arith.constant 64 : i32
      %add3A_147 = arith.addi %add3A_146, %add3A : i32
      %mul3A_148 = arith.constant 48 : i32
      %mul3A_149 = arith.muli %add3A_147, %mul3A_148 : i32
      "tpu.region"() ({
        %run_scoped3A = tpu.sem_alloc : memref<!tpu.dma_semaphore, #tpu.memory_space<semaphore_mem>>
        %dma_start3A_152 = tpu.memref_slice %arg2[%mul3A_149] : memref<8448xi32, #tpu.memory_space<hbm>> -> memref<48xi32, #tpu.memory_space<hbm>>
        %dma_start3A_153 = tpu.memref_slice %arg2[%mul3A_149] : memref<8448xi32, #tpu.memory_space<hbm>> -> memref<48xi32, #tpu.memory_space<hbm>>
        tpu.enqueue_dma source(%dma_start3A_153 : memref<48xi32, #tpu.memory_space<hbm>>) target(%arg5 : memref<48xi32, #tpu.memory_space<vmem>>) target_semaphore(%run_scoped3A : memref<!tpu.dma_semaphore, #tpu.memory_space<semaphore_mem>>)
        %dma_wait3A_154 = tpu.memref_slice %arg2[%mul3A_149] : memref<8448xi32, #tpu.memory_space<hbm>> -> memref<48xi32, #tpu.memory_space<hbm>>
        %dma_wait3A_155 = tpu.memref_slice %arg2[%mul3A_149] : memref<8448xi32, #tpu.memory_space<hbm>> -> memref<48xi32, #tpu.memory_space<hbm>>
        tpu.wait_dma2 semaphore(%run_scoped3A : memref<!tpu.dma_semaphore, #tpu.memory_space<semaphore_mem>>) src(%dma_wait3A_155 : memref<48xi32, #tpu.memory_space<hbm>>) dst(%arg5 : memref<48xi32, #tpu.memory_space<vmem>>)
        tpu.yield
      }) : () -> ()
      %dma_start3A = arith.constant 0 : i32
      %dma_start3A_150 = arith.constant 0 : i32
      %dma_start3A_151 = tpu.memref_slice %arg3[%dma_start3A, %dma_start3A_150] : memref<4096x1024xf32, #tpu.memory_space<hbm>> -> memref<4096x1024xf32, #tpu.memory_space<hbm>>
      tpu.enqueue_indirect_dma source(%dma_start3A_151 : memref<4096x1024xf32, #tpu.memory_space<hbm>>) target(%arg6 : memref<48x1024xf32, #tpu.memory_space<vmem>>) offsets(%arg5 : memref<48xi32, #tpu.memory_space<vmem>>) semaphore(%arg8 : memref<!tpu.dma_semaphore, #tpu.memory_space<semaphore_mem>>)
    } else {
    }
    %add3A_40 = arith.constant 32 : i32
    %add3A_41 = arith.addi %add3A_40, %add3A : i32
    %lt3A_42 = arith.constant 176 : i32
    %lt3A_43 = arith.cmpi slt, %add3A_41, %lt3A_42 : i32
    %convert_element_type3A_44 = arith.extui %lt3A_43 : i1 to i32
    %cond3A_45 = arith.constant 0 : i32
    %cond3A_46 = arith.cmpi ne, %convert_element_type3A_44, %cond3A_45 : i32
    scf.if %cond3A_46 {
      %add3A_139 = arith.constant 32 : i32
      %add3A_140 = arith.addi %add3A_139, %add3A : i32
      %mul3A_141 = arith.constant 48 : i32
      %mul3A_142 = arith.muli %add3A_140, %mul3A_141 : i32
      %dma_start3A = arith.constant 0 : i32
      %dma_start3A_143 = tpu.memref_slice %arg4[%mul3A_142, %dma_start3A] : memref<8448x1024xf32, #tpu.memory_space<hbm>> -> memref<48x1024xf32, #tpu.memory_space<hbm>>
      %dma_start3A_144 = arith.constant 0 : i32
      %dma_start3A_145 = tpu.memref_slice %arg4[%mul3A_142, %dma_start3A_144] : memref<8448x1024xf32, #tpu.memory_space<hbm>> -> memref<48x1024xf32, #tpu.memory_space<hbm>>
      tpu.enqueue_dma source(%arg7 : memref<48x1024xf32, #tpu.memory_space<vmem>>) target(%dma_start3A_145 : memref<48x1024xf32, #tpu.memory_space<hbm>>) target_semaphore(%arg11 : memref<!tpu.dma_semaphore, #tpu.memory_space<semaphore_mem>>)
    } else {
    }
    %add3A_47 = arith.constant 64 : i32
    %add3A_48 = arith.addi %add3A_47, %add3A : i32
    %lt3A_49 = arith.constant 176 : i32
    %lt3A_50 = arith.cmpi slt, %add3A_48, %lt3A_49 : i32
    %convert_element_type3A_51 = arith.extui %lt3A_50 : i1 to i32
    %cond3A_52 = arith.constant 0 : i32
    %cond3A_53 = arith.cmpi ne, %convert_element_type3A_51, %cond3A_52 : i32
    scf.if %cond3A_53 {
      %dma_wait3A = arith.constant 0 : i32
      %dma_wait3A_139 = arith.constant 0 : i32
      %dma_wait3A_140 = tpu.memref_slice %arg3[%dma_wait3A, %dma_wait3A_139] : memref<4096x1024xf32, #tpu.memory_space<hbm>> -> memref<4096x1024xf32, #tpu.memory_space<hbm>>
      tpu.wait_indirect_dma semaphore(%arg8 : memref<!tpu.dma_semaphore, #tpu.memory_space<semaphore_mem>>) src(%dma_wait3A_140 : memref<4096x1024xf32, #tpu.memory_space<hbm>>) dst(%arg6 : memref<48x1024xf32, #tpu.memory_space<vmem>>)
    } else {
    }
    %add3A_54 = arith.constant 96 : i32
    %add3A_55 = arith.addi %add3A_54, %add3A : i32
    %lt3A_56 = arith.constant 176 : i32
    %lt3A_57 = arith.cmpi slt, %add3A_55, %lt3A_56 : i32
    %convert_element_type3A_58 = arith.extui %lt3A_57 : i1 to i32
    %cond3A_59 = arith.constant 0 : i32
    %cond3A_60 = arith.cmpi ne, %convert_element_type3A_58, %cond3A_59 : i32
    scf.if %cond3A_60 {
      %add3A_139 = arith.constant 32 : i32
      %add3A_140 = arith.addi %add3A_139, %add3A : i32
      %mul3A_141 = arith.constant 48 : i32
      %mul3A_142 = arith.muli %add3A_140, %mul3A_141 : i32
      %dma_wait3A = arith.constant 0 : i32
      %dma_wait3A_143 = tpu.memref_slice %arg4[%mul3A_142, %dma_wait3A] : memref<8448x1024xf32, #tpu.memory_space<hbm>> -> memref<48x1024xf32, #tpu.memory_space<hbm>>
      %dma_wait3A_144 = arith.constant 0 : i32
      %dma_wait3A_145 = tpu.memref_slice %arg4[%mul3A_142, %dma_wait3A_144] : memref<8448x1024xf32, #tpu.memory_space<hbm>> -> memref<48x1024xf32, #tpu.memory_space<hbm>>
      tpu.wait_dma2 semaphore(%arg11 : memref<!tpu.dma_semaphore, #tpu.memory_space<semaphore_mem>>) src(%arg7 : memref<48x1024xf32, #tpu.memory_space<vmem>>) dst(%dma_wait3A_145 : memref<48x1024xf32, #tpu.memory_space<hbm>>)
      %add3A_146 = arith.constant 96 : i32
      %add3A_147 = arith.addi %add3A_146, %add3A : i32
      %mul3A_148 = arith.constant 48 : i32
      %mul3A_149 = arith.muli %add3A_147, %mul3A_148 : i32
      "tpu.region"() ({
        %run_scoped3A = tpu.sem_alloc : memref<!tpu.dma_semaphore, #tpu.memory_space<semaphore_mem>>
        %dma_start3A_152 = tpu.memref_slice %arg2[%mul3A_149] : memref<8448xi32, #tpu.memory_space<hbm>> -> memref<48xi32, #tpu.memory_space<hbm>>
        %dma_start3A_153 = tpu.memref_slice %arg2[%mul3A_149] : memref<8448xi32, #tpu.memory_space<hbm>> -> memref<48xi32, #tpu.memory_space<hbm>>
        tpu.enqueue_dma source(%dma_start3A_153 : memref<48xi32, #tpu.memory_space<hbm>>) target(%arg5 : memref<48xi32, #tpu.memory_space<vmem>>) target_semaphore(%run_scoped3A : memref<!tpu.dma_semaphore, #tpu.memory_space<semaphore_mem>>)
        %dma_wait3A_154 = tpu.memref_slice %arg2[%mul3A_149] : memref<8448xi32, #tpu.memory_space<hbm>> -> memref<48xi32, #tpu.memory_space<hbm>>
        %dma_wait3A_155 = tpu.memref_slice %arg2[%mul3A_149] : memref<8448xi32, #tpu.memory_space<hbm>> -> memref<48xi32, #tpu.memory_space<hbm>>
        tpu.wait_dma2 semaphore(%run_scoped3A : memref<!tpu.dma_semaphore, #tpu.memory_space<semaphore_mem>>) src(%dma_wait3A_155 : memref<48xi32, #tpu.memory_space<hbm>>) dst(%arg5 : memref<48xi32, #tpu.memory_space<vmem>>)
        tpu.yield
      }) : () -> ()
      %dma_start3A = arith.constant 0 : i32
      %dma_start3A_150 = arith.constant 0 : i32
      %dma_start3A_151 = tpu.memref_slice %arg3[%dma_start3A, %dma_start3A_150] : memref<4096x1024xf32, #tpu.memory_space<hbm>> -> memref<4096x1024xf32, #tpu.memory_space<hbm>>
      tpu.enqueue_indirect_dma source(%dma_start3A_151 : memref<4096x1024xf32, #tpu.memory_space<hbm>>) target(%arg7 : memref<48x1024xf32, #tpu.memory_space<vmem>>) offsets(%arg5 : memref<48xi32, #tpu.memory_space<vmem>>) semaphore(%arg9 : memref<!tpu.dma_semaphore, #tpu.memory_space<semaphore_mem>>)
    } else {
    }
    %add3A_61 = arith.constant 64 : i32
    %add3A_62 = arith.addi %add3A_61, %add3A : i32
    %lt3A_63 = arith.constant 176 : i32
    %lt3A_64 = arith.cmpi slt, %add3A_62, %lt3A_63 : i32
    %convert_element_type3A_65 = arith.extui %lt3A_64 : i1 to i32
    %cond3A_66 = arith.constant 0 : i32
    %cond3A_67 = arith.cmpi ne, %convert_element_type3A_65, %cond3A_66 : i32
    scf.if %cond3A_67 {
      %add3A_139 = arith.constant 64 : i32
      %add3A_140 = arith.addi %add3A_139, %add3A : i32
      %mul3A_141 = arith.constant 48 : i32
      %mul3A_142 = arith.muli %add3A_140, %mul3A_141 : i32
      %dma_start3A = arith.constant 0 : i32
      %dma_start3A_143 = tpu.memref_slice %arg4[%mul3A_142, %dma_start3A] : memref<8448x1024xf32, #tpu.memory_space<hbm>> -> memref<48x1024xf32, #tpu.memory_space<hbm>>
      %dma_start3A_144 = arith.constant 0 : i32
      %dma_start3A_145 = tpu.memref_slice %arg4[%mul3A_142, %dma_start3A_144] : memref<8448x1024xf32, #tpu.memory_space<hbm>> -> memref<48x1024xf32, #tpu.memory_space<hbm>>
      tpu.enqueue_dma source(%arg6 : memref<48x1024xf32, #tpu.memory_space<vmem>>) target(%dma_start3A_145 : memref<48x1024xf32, #tpu.memory_space<hbm>>) target_semaphore(%arg10 : memref<!tpu.dma_semaphore, #tpu.memory_space<semaphore_mem>>)
    } else {
    }
    %add3A_68 = arith.constant 96 : i32
    %add3A_69 = arith.addi %add3A_68, %add3A : i32
    %lt3A_70 = arith.constant 176 : i32
    %lt3A_71 = arith.cmpi slt, %add3A_69, %lt3A_70 : i32
    %convert_element_type3A_72 = arith.extui %lt3A_71 : i1 to i32
    %cond3A_73 = arith.constant 0 : i32
    %cond3A_74 = arith.cmpi ne, %convert_element_type3A_72, %cond3A_73 : i32
    scf.if %cond3A_74 {
      %dma_wait3A = arith.constant 0 : i32
      %dma_wait3A_139 = arith.constant 0 : i32
      %dma_wait3A_140 = tpu.memref_slice %arg3[%dma_wait3A, %dma_wait3A_139] : memref<4096x1024xf32, #tpu.memory_space<hbm>> -> memref<4096x1024xf32, #tpu.memory_space<hbm>>
      tpu.wait_indirect_dma semaphore(%arg9 : memref<!tpu.dma_semaphore, #tpu.memory_space<semaphore_mem>>) src(%dma_wait3A_140 : memref<4096x1024xf32, #tpu.memory_space<hbm>>) dst(%arg7 : memref<48x1024xf32, #tpu.memory_space<vmem>>)
    } else {
    }
    %add3A_75 = arith.constant 128 : i32
    %add3A_76 = arith.addi %add3A_75, %add3A : i32
    %lt3A_77 = arith.constant 176 : i32
    %lt3A_78 = arith.cmpi slt, %add3A_76, %lt3A_77 : i32
    %convert_element_type3A_79 = arith.extui %lt3A_78 : i1 to i32
    %cond3A_80 = arith.constant 0 : i32
    %cond3A_81 = arith.cmpi ne, %convert_element_type3A_79, %cond3A_80 : i32
    scf.if %cond3A_81 {
      %add3A_139 = arith.constant 64 : i32
      %add3A_140 = arith.addi %add3A_139, %add3A : i32
      %mul3A_141 = arith.constant 48 : i32
      %mul3A_142 = arith.muli %add3A_140, %mul3A_141 : i32
      %dma_wait3A = arith.constant 0 : i32
      %dma_wait3A_143 = tpu.memref_slice %arg4[%mul3A_142, %dma_wait3A] : memref<8448x1024xf32, #tpu.memory_space<hbm>> -> memref<48x1024xf32, #tpu.memory_space<hbm>>
      %dma_wait3A_144 = arith.constant 0 : i32
      %dma_wait3A_145 = tpu.memref_slice %arg4[%mul3A_142, %dma_wait3A_144] : memref<8448x1024xf32, #tpu.memory_space<hbm>> -> memref<48x1024xf32, #tpu.memory_space<hbm>>
      tpu.wait_dma2 semaphore(%arg10 : memref<!tpu.dma_semaphore, #tpu.memory_space<semaphore_mem>>) src(%arg6 : memref<48x1024xf32, #tpu.memory_space<vmem>>) dst(%dma_wait3A_145 : memref<48x1024xf32, #tpu.memory_space<hbm>>)
      %add3A_146 = arith.constant 128 : i32
      %add3A_147 = arith.addi %add3A_146, %add3A : i32
      %mul3A_148 = arith.constant 48 : i32
      %mul3A_149 = arith.muli %add3A_147, %mul3A_148 : i32
      "tpu.region"() ({
        %run_scoped3A = tpu.sem_alloc : memref<!tpu.dma_semaphore, #tpu.memory_space<semaphore_mem>>
        %dma_start3A_152 = tpu.memref_slice %arg2[%mul3A_149] : memref<8448xi32, #tpu.memory_space<hbm>> -> memref<48xi32, #tpu.memory_space<hbm>>
        %dma_start3A_153 = tpu.memref_slice %arg2[%mul3A_149] : memref<8448xi32, #tpu.memory_space<hbm>> -> memref<48xi32, #tpu.memory_space<hbm>>
        tpu.enqueue_dma source(%dma_start3A_153 : memref<48xi32, #tpu.memory_space<hbm>>) target(%arg5 : memref<48xi32, #tpu.memory_space<vmem>>) target_semaphore(%run_scoped3A : memref<!tpu.dma_semaphore, #tpu.memory_space<semaphore_mem>>)
        %dma_wait3A_154 = tpu.memref_slice %arg2[%mul3A_149] : memref<8448xi32, #tpu.memory_space<hbm>> -> memref<48xi32, #tpu.memory_space<hbm>>
        %dma_wait3A_155 = tpu.memref_slice %arg2[%mul3A_149] : memref<8448xi32, #tpu.memory_space<hbm>> -> memref<48xi32, #tpu.memory_space<hbm>>
        tpu.wait_dma2 semaphore(%run_scoped3A : memref<!tpu.dma_semaphore, #tpu.memory_space<semaphore_mem>>) src(%dma_wait3A_155 : memref<48xi32, #tpu.memory_space<hbm>>) dst(%arg5 : memref<48xi32, #tpu.memory_space<vmem>>)
        tpu.yield
      }) : () -> ()
      %dma_start3A = arith.constant 0 : i32
      %dma_start3A_150 = arith.constant 0 : i32
      %dma_start3A_151 = tpu.memref_slice %arg3[%dma_start3A, %dma_start3A_150] : memref<4096x1024xf32, #tpu.memory_space<hbm>> -> memref<4096x1024xf32, #tpu.memory_space<hbm>>
      tpu.enqueue_indirect_dma source(%dma_start3A_151 : memref<4096x1024xf32, #tpu.memory_space<hbm>>) target(%arg6 : memref<48x1024xf32, #tpu.memory_space<vmem>>) offsets(%arg5 : memref<48xi32, #tpu.memory_space<vmem>>) semaphore(%arg8 : memref<!tpu.dma_semaphore, #tpu.memory_space<semaphore_mem>>)
    } else {
    }
    %add3A_82 = arith.constant 96 : i32
    %add3A_83 = arith.addi %add3A_82, %add3A : i32
    %lt3A_84 = arith.constant 176 : i32
    %lt3A_85 = arith.cmpi slt, %add3A_83, %lt3A_84 : i32
    %convert_element_type3A_86 = arith.extui %lt3A_85 : i1 to i32
    %cond3A_87 = arith.constant 0 : i32
    %cond3A_88 = arith.cmpi ne, %convert_element_type3A_86, %cond3A_87 : i32
    scf.if %cond3A_88 {
      %add3A_139 = arith.constant 96 : i32
      %add3A_140 = arith.addi %add3A_139, %add3A : i32
      %mul3A_141 = arith.constant 48 : i32
      %mul3A_142 = arith.muli %add3A_140, %mul3A_141 : i32
      %dma_start3A = arith.constant 0 : i32
      %dma_start3A_143 = tpu.memref_slice %arg4[%mul3A_142, %dma_start3A] : memref<8448x1024xf32, #tpu.memory_space<hbm>> -> memref<48x1024xf32, #tpu.memory_space<hbm>>
      %dma_start3A_144 = arith.constant 0 : i32
      %dma_start3A_145 = tpu.memref_slice %arg4[%mul3A_142, %dma_start3A_144] : memref<8448x1024xf32, #tpu.memory_space<hbm>> -> memref<48x1024xf32, #tpu.memory_space<hbm>>
      tpu.enqueue_dma source(%arg7 : memref<48x1024xf32, #tpu.memory_space<vmem>>) target(%dma_start3A_145 : memref<48x1024xf32, #tpu.memory_space<hbm>>) target_semaphore(%arg11 : memref<!tpu.dma_semaphore, #tpu.memory_space<semaphore_mem>>)
    } else {
    }
    %add3A_89 = arith.constant 128 : i32
    %add3A_90 = arith.addi %add3A_89, %add3A : i32
    %lt3A_91 = arith.constant 176 : i32
    %lt3A_92 = arith.cmpi slt, %add3A_90, %lt3A_91 : i32
    %convert_element_type3A_93 = arith.extui %lt3A_92 : i1 to i32
    %cond3A_94 = arith.constant 0 : i32
    %cond3A_95 = arith.cmpi ne, %convert_element_type3A_93, %cond3A_94 : i32
    scf.if %cond3A_95 {
      %dma_wait3A = arith.constant 0 : i32
      %dma_wait3A_139 = arith.constant 0 : i32
      %dma_wait3A_140 = tpu.memref_slice %arg3[%dma_wait3A, %dma_wait3A_139] : memref<4096x1024xf32, #tpu.memory_space<hbm>> -> memref<4096x1024xf32, #tpu.memory_space<hbm>>
      tpu.wait_indirect_dma semaphore(%arg8 : memref<!tpu.dma_semaphore, #tpu.memory_space<semaphore_mem>>) src(%dma_wait3A_140 : memref<4096x1024xf32, #tpu.memory_space<hbm>>) dst(%arg6 : memref<48x1024xf32, #tpu.memory_space<vmem>>)
    } else {
    }
    %add3A_96 = arith.constant 160 : i32
    %add3A_97 = arith.addi %add3A_96, %add3A : i32
    %lt3A_98 = arith.constant 176 : i32
    %lt3A_99 = arith.cmpi slt, %add3A_97, %lt3A_98 : i32
    %convert_element_type3A_100 = arith.extui %lt3A_99 : i1 to i32
    %cond3A_101 = arith.constant 0 : i32
    %cond3A_102 = arith.cmpi ne, %convert_element_type3A_100, %cond3A_101 : i32
    scf.if %cond3A_102 {
      %add3A_139 = arith.constant 96 : i32
      %add3A_140 = arith.addi %add3A_139, %add3A : i32
      %mul3A_141 = arith.constant 48 : i32
      %mul3A_142 = arith.muli %add3A_140, %mul3A_141 : i32
      %dma_wait3A = arith.constant 0 : i32
      %dma_wait3A_143 = tpu.memref_slice %arg4[%mul3A_142, %dma_wait3A] : memref<8448x1024xf32, #tpu.memory_space<hbm>> -> memref<48x1024xf32, #tpu.memory_space<hbm>>
      %dma_wait3A_144 = arith.constant 0 : i32
      %dma_wait3A_145 = tpu.memref_slice %arg4[%mul3A_142, %dma_wait3A_144] : memref<8448x1024xf32, #tpu.memory_space<hbm>> -> memref<48x1024xf32, #tpu.memory_space<hbm>>
      tpu.wait_dma2 semaphore(%arg11 : memref<!tpu.dma_semaphore, #tpu.memory_space<semaphore_mem>>) src(%arg7 : memref<48x1024xf32, #tpu.memory_space<vmem>>) dst(%dma_wait3A_145 : memref<48x1024xf32, #tpu.memory_space<hbm>>)
      %add3A_146 = arith.constant 160 : i32
      %add3A_147 = arith.addi %add3A_146, %add3A : i32
      %mul3A_148 = arith.constant 48 : i32
      %mul3A_149 = arith.muli %add3A_147, %mul3A_148 : i32
      "tpu.region"() ({
        %run_scoped3A = tpu.sem_alloc : memref<!tpu.dma_semaphore, #tpu.memory_space<semaphore_mem>>
        %dma_start3A_152 = tpu.memref_slice %arg2[%mul3A_149] : memref<8448xi32, #tpu.memory_space<hbm>> -> memref<48xi32, #tpu.memory_space<hbm>>
        %dma_start3A_153 = tpu.memref_slice %arg2[%mul3A_149] : memref<8448xi32, #tpu.memory_space<hbm>> -> memref<48xi32, #tpu.memory_space<hbm>>
        tpu.enqueue_dma source(%dma_start3A_153 : memref<48xi32, #tpu.memory_space<hbm>>) target(%arg5 : memref<48xi32, #tpu.memory_space<vmem>>) target_semaphore(%run_scoped3A : memref<!tpu.dma_semaphore, #tpu.memory_space<semaphore_mem>>)
        %dma_wait3A_154 = tpu.memref_slice %arg2[%mul3A_149] : memref<8448xi32, #tpu.memory_space<hbm>> -> memref<48xi32, #tpu.memory_space<hbm>>
        %dma_wait3A_155 = tpu.memref_slice %arg2[%mul3A_149] : memref<8448xi32, #tpu.memory_space<hbm>> -> memref<48xi32, #tpu.memory_space<hbm>>
        tpu.wait_dma2 semaphore(%run_scoped3A : memref<!tpu.dma_semaphore, #tpu.memory_space<semaphore_mem>>) src(%dma_wait3A_155 : memref<48xi32, #tpu.memory_space<hbm>>) dst(%arg5 : memref<48xi32, #tpu.memory_space<vmem>>)
        tpu.yield
      }) : () -> ()
      %dma_start3A = arith.constant 0 : i32
      %dma_start3A_150 = arith.constant 0 : i32
      %dma_start3A_151 = tpu.memref_slice %arg3[%dma_start3A, %dma_start3A_150] : memref<4096x1024xf32, #tpu.memory_space<hbm>> -> memref<4096x1024xf32, #tpu.memory_space<hbm>>
      tpu.enqueue_indirect_dma source(%dma_start3A_151 : memref<4096x1024xf32, #tpu.memory_space<hbm>>) target(%arg7 : memref<48x1024xf32, #tpu.memory_space<vmem>>) offsets(%arg5 : memref<48xi32, #tpu.memory_space<vmem>>) semaphore(%arg9 : memref<!tpu.dma_semaphore, #tpu.memory_space<semaphore_mem>>)
    } else {
    }
    %add3A_103 = arith.constant 128 : i32
    %add3A_104 = arith.addi %add3A_103, %add3A : i32
    %lt3A_105 = arith.constant 176 : i32
    %lt3A_106 = arith.cmpi slt, %add3A_104, %lt3A_105 : i32
    %convert_element_type3A_107 = arith.extui %lt3A_106 : i1 to i32
    %cond3A_108 = arith.constant 0 : i32
    %cond3A_109 = arith.cmpi ne, %convert_element_type3A_107, %cond3A_108 : i32
    scf.if %cond3A_109 {
      %add3A_139 = arith.constant 128 : i32
      %add3A_140 = arith.addi %add3A_139, %add3A : i32
      %mul3A_141 = arith.constant 48 : i32
      %mul3A_142 = arith.muli %add3A_140, %mul3A_141 : i32
      %dma_start3A = arith.constant 0 : i32
      %dma_start3A_143 = tpu.memref_slice %arg4[%mul3A_142, %dma_start3A] : memref<8448x1024xf32, #tpu.memory_space<hbm>> -> memref<48x1024xf32, #tpu.memory_space<hbm>>
      %dma_start3A_144 = arith.constant 0 : i32
      %dma_start3A_145 = tpu.memref_slice %arg4[%mul3A_142, %dma_start3A_144] : memref<8448x1024xf32, #tpu.memory_space<hbm>> -> memref<48x1024xf32, #tpu.memory_space<hbm>>
      tpu.enqueue_dma source(%arg6 : memref<48x1024xf32, #tpu.memory_space<vmem>>) target(%dma_start3A_145 : memref<48x1024xf32, #tpu.memory_space<hbm>>) target_semaphore(%arg10 : memref<!tpu.dma_semaphore, #tpu.memory_space<semaphore_mem>>)
    } else {
    }
    %add3A_110 = arith.constant 160 : i32
    %add3A_111 = arith.addi %add3A_110, %add3A : i32
    %lt3A_112 = arith.constant 176 : i32
    %lt3A_113 = arith.cmpi slt, %add3A_111, %lt3A_112 : i32
    %convert_element_type3A_114 = arith.extui %lt3A_113 : i1 to i32
    %cond3A_115 = arith.constant 0 : i32
    %cond3A_116 = arith.cmpi ne, %convert_element_type3A_114, %cond3A_115 : i32
    scf.if %cond3A_116 {
      %dma_wait3A = arith.constant 0 : i32
      %dma_wait3A_139 = arith.constant 0 : i32
      %dma_wait3A_140 = tpu.memref_slice %arg3[%dma_wait3A, %dma_wait3A_139] : memref<4096x1024xf32, #tpu.memory_space<hbm>> -> memref<4096x1024xf32, #tpu.memory_space<hbm>>
      tpu.wait_indirect_dma semaphore(%arg9 : memref<!tpu.dma_semaphore, #tpu.memory_space<semaphore_mem>>) src(%dma_wait3A_140 : memref<4096x1024xf32, #tpu.memory_space<hbm>>) dst(%arg7 : memref<48x1024xf32, #tpu.memory_space<vmem>>)
    } else {
    }
    %add3A_117 = arith.constant 160 : i32
    %add3A_118 = arith.addi %add3A_117, %add3A : i32
    %lt3A_119 = arith.constant 176 : i32
    %lt3A_120 = arith.cmpi slt, %add3A_118, %lt3A_119 : i32
    %convert_element_type3A_121 = arith.extui %lt3A_120 : i1 to i32
    %cond3A_122 = arith.constant 0 : i32
    %cond3A_123 = arith.cmpi ne, %convert_element_type3A_121, %cond3A_122 : i32
    scf.if %cond3A_123 {
      %add3A_139 = arith.constant 160 : i32
      %add3A_140 = arith.addi %add3A_139, %add3A : i32
      %mul3A_141 = arith.constant 48 : i32
      %mul3A_142 = arith.muli %add3A_140, %mul3A_141 : i32
      %dma_start3A = arith.constant 0 : i32
      %dma_start3A_143 = tpu.memref_slice %arg4[%mul3A_142, %dma_start3A] : memref<8448x1024xf32, #tpu.memory_space<hbm>> -> memref<48x1024xf32, #tpu.memory_space<hbm>>
      %dma_start3A_144 = arith.constant 0 : i32
      %dma_start3A_145 = tpu.memref_slice %arg4[%mul3A_142, %dma_start3A_144] : memref<8448x1024xf32, #tpu.memory_space<hbm>> -> memref<48x1024xf32, #tpu.memory_space<hbm>>
      tpu.enqueue_dma source(%arg7 : memref<48x1024xf32, #tpu.memory_space<vmem>>) target(%dma_start3A_145 : memref<48x1024xf32, #tpu.memory_space<hbm>>) target_semaphore(%arg11 : memref<!tpu.dma_semaphore, #tpu.memory_space<semaphore_mem>>)
    } else {
    }
    %add3A_124 = arith.constant 160 : i32
    %add3A_125 = arith.addi %add3A_124, %add3A : i32
    %lt3A_126 = arith.constant 176 : i32
    %lt3A_127 = arith.cmpi slt, %add3A_125, %lt3A_126 : i32
    %convert_element_type3A_128 = arith.extui %lt3A_127 : i1 to i32
    %cond3A_129 = arith.constant 0 : i32
    %cond3A_130 = arith.cmpi ne, %convert_element_type3A_128, %cond3A_129 : i32
    scf.if %cond3A_130 {
      %add3A_139 = arith.constant 160 : i32
      %add3A_140 = arith.addi %add3A_139, %add3A : i32
      %mul3A_141 = arith.constant 48 : i32
      %mul3A_142 = arith.muli %add3A_140, %mul3A_141 : i32
      %dma_wait3A = arith.constant 0 : i32
      %dma_wait3A_143 = tpu.memref_slice %arg4[%mul3A_142, %dma_wait3A] : memref<8448x1024xf32, #tpu.memory_space<hbm>> -> memref<48x1024xf32, #tpu.memory_space<hbm>>
      %dma_wait3A_144 = arith.constant 0 : i32
      %dma_wait3A_145 = tpu.memref_slice %arg4[%mul3A_142, %dma_wait3A_144] : memref<8448x1024xf32, #tpu.memory_space<hbm>> -> memref<48x1024xf32, #tpu.memory_space<hbm>>
      tpu.wait_dma2 semaphore(%arg11 : memref<!tpu.dma_semaphore, #tpu.memory_space<semaphore_mem>>) src(%arg7 : memref<48x1024xf32, #tpu.memory_space<vmem>>) dst(%dma_wait3A_145 : memref<48x1024xf32, #tpu.memory_space<hbm>>)
      %add3A_146 = arith.constant 128 : i32
      %add3A_147 = arith.addi %add3A_146, %add3A : i32
      %mul3A_148 = arith.constant 48 : i32
      %mul3A_149 = arith.muli %add3A_147, %mul3A_148 : i32
      %dma_wait3A_150 = arith.constant 0 : i32
      %dma_wait3A_151 = tpu.memref_slice %arg4[%mul3A_149, %dma_wait3A_150] : memref<8448x1024xf32, #tpu.memory_space<hbm>> -> memref<48x1024xf32, #tpu.memory_space<hbm>>
      %dma_wait3A_152 = arith.constant 0 : i32
      %dma_wait3A_153 = tpu.memref_slice %arg4[%mul3A_149, %dma_wait3A_152] : memref<8448x1024xf32, #tpu.memory_space<hbm>> -> memref<48x1024xf32, #tpu.memory_space<hbm>>
      tpu.wait_dma2 semaphore(%arg10 : memref<!tpu.dma_semaphore, #tpu.memory_space<semaphore_mem>>) src(%arg6 : memref<48x1024xf32, #tpu.memory_space<vmem>>) dst(%dma_wait3A_153 : memref<48x1024xf32, #tpu.memory_space<hbm>>)
    } else {
    }
    %add3A_131 = arith.constant 160 : i32
    %add3A_132 = arith.addi %add3A_131, %add3A : i32
    %lt3A_133 = arith.constant 176 : i32
    %lt3A_134 = arith.cmpi slt, %add3A_132, %lt3A_133 : i32
    %not3A = arith.constant true
    %not3A_135 = arith.xori %lt3A_134, %not3A : i1
    %convert_element_type3A_136 = arith.extui %not3A_135 : i1 to i32
    %cond3A_137 = arith.constant 0 : i32
    %cond3A_138 = arith.cmpi ne, %convert_element_type3A_136, %cond3A_137 : i32
    scf.if %cond3A_138 {
      %add3A_139 = arith.constant 128 : i32
      %add3A_140 = arith.addi %add3A_139, %add3A : i32
      %mul3A_141 = arith.constant 48 : i32
      %mul3A_142 = arith.muli %add3A_140, %mul3A_141 : i32
      %dma_wait3A = arith.constant 0 : i32
      %dma_wait3A_143 = tpu.memref_slice %arg4[%mul3A_142, %dma_wait3A] : memref<8448x1024xf32, #tpu.memory_space<hbm>> -> memref<48x1024xf32, #tpu.memory_space<hbm>>
      %dma_wait3A_144 = arith.constant 0 : i32
      %dma_wait3A_145 = tpu.memref_slice %arg4[%mul3A_142, %dma_wait3A_144] : memref<8448x1024xf32, #tpu.memory_space<hbm>> -> memref<48x1024xf32, #tpu.memory_space<hbm>>
      tpu.wait_dma2 semaphore(%arg10 : memref<!tpu.dma_semaphore, #tpu.memory_space<semaphore_mem>>) src(%arg6 : memref<48x1024xf32, #tpu.memory_space<vmem>>) dst(%dma_wait3A_145 : memref<48x1024xf32, #tpu.memory_space<hbm>>)
      %add3A_146 = arith.constant 96 : i32
      %add3A_147 = arith.addi %add3A_146, %add3A : i32
      %mul3A_148 = arith.constant 48 : i32
      %mul3A_149 = arith.muli %add3A_147, %mul3A_148 : i32
      %dma_wait3A_150 = arith.constant 0 : i32
      %dma_wait3A_151 = tpu.memref_slice %arg4[%mul3A_149, %dma_wait3A_150] : memref<8448x1024xf32, #tpu.memory_space<hbm>> -> memref<48x1024xf32, #tpu.memory_space<hbm>>
      %dma_wait3A_152 = arith.constant 0 : i32
      %dma_wait3A_153 = tpu.memref_slice %arg4[%mul3A_149, %dma_wait3A_152] : memref<8448x1024xf32, #tpu.memory_space<hbm>> -> memref<48x1024xf32, #tpu.memory_space<hbm>>
      tpu.wait_dma2 semaphore(%arg11 : memref<!tpu.dma_semaphore, #tpu.memory_space<semaphore_mem>>) src(%arg7 : memref<48x1024xf32, #tpu.memory_space<vmem>>) dst(%dma_wait3A_153 : memref<48x1024xf32, #tpu.memory_space<hbm>>)
    } else {
    }
    return
  }
}

#map = affine_map<(d0, d1) -> (0)>
module attributes {stable_mosaic.version = 14 : i64} {
  func.func @_build_tables(%arg0: i32, %arg1: i32, %arg2: memref<4096xi32, #tpu.memory_space<hbm>>, %arg3: memref<4096xf32, #tpu.memory_space<hbm>>, %arg4: memref<8448xi32, #tpu.memory_space<hbm>>, %arg5: memref<8448xf32, #tpu.memory_space<hbm>>, %arg6: memref<4096xi32, #tpu.memory_space<vmem>>, %arg7: memref<4096xf32, #tpu.memory_space<vmem>>, %arg8: memref<8448xi32, #tpu.memory_space<vmem>>, %arg9: memref<8448xf32, #tpu.memory_space<vmem>>) attributes {dimension_semantics = [#tpu.dimension_semantics<core_parallel>, #tpu.dimension_semantics<subcore_parallel>], iteration_bounds = array<i64: 2, 16>, scalar_prefetch = 0 : i64, scratch_operands = 4 : i64, tpu.core_type = #tpu.core_type<sc_vector_subcore>, window_params = [{transform_indices = #map}, {transform_indices = #map}, {transform_indices = #map}, {transform_indices = #map}]} {
    %mul3A = arith.constant 2 : i32
    %mul3A_0 = arith.muli %arg1, %mul3A : i32
    %add3A = arith.addi %mul3A_0, %arg0 : i32
    %eq3A = arith.constant 0 : i32
    %eq3A_1 = arith.cmpi eq, %add3A, %eq3A : i32
    %convert_element_type3A = arith.extui %eq3A_1 : i1 to i32
    %cond3A = arith.constant 0 : i32
    %cond3A_2 = arith.cmpi ne, %convert_element_type3A, %cond3A : i32
    scf.if %cond3A_2 {
      "tpu.region"() ({
        %run_scoped3A = tpu.sem_alloc : memref<!tpu.dma_semaphore, #tpu.memory_space<semaphore_mem>>
        tpu.enqueue_dma source(%arg2 : memref<4096xi32, #tpu.memory_space<hbm>>) target(%arg6 : memref<4096xi32, #tpu.memory_space<vmem>>) target_semaphore(%run_scoped3A : memref<!tpu.dma_semaphore, #tpu.memory_space<semaphore_mem>>)
        tpu.wait_dma2 semaphore(%run_scoped3A : memref<!tpu.dma_semaphore, #tpu.memory_space<semaphore_mem>>) src(%arg2 : memref<4096xi32, #tpu.memory_space<hbm>>) dst(%arg6 : memref<4096xi32, #tpu.memory_space<vmem>>)
        tpu.yield
      }) : () -> ()
      "tpu.region"() ({
        %run_scoped3A = tpu.sem_alloc : memref<!tpu.dma_semaphore, #tpu.memory_space<semaphore_mem>>
        tpu.enqueue_dma source(%arg3 : memref<4096xf32, #tpu.memory_space<hbm>>) target(%arg7 : memref<4096xf32, #tpu.memory_space<vmem>>) target_semaphore(%run_scoped3A : memref<!tpu.dma_semaphore, #tpu.memory_space<semaphore_mem>>)
        tpu.wait_dma2 semaphore(%run_scoped3A : memref<!tpu.dma_semaphore, #tpu.memory_space<semaphore_mem>>) src(%arg3 : memref<4096xf32, #tpu.memory_space<hbm>>) dst(%arg7 : memref<4096xf32, #tpu.memory_space<vmem>>)
        tpu.yield
      }) : () -> ()
      %broadcast_in_dim3A = arith.constant 0.000000e+00 : f32
      %broadcast_in_dim3A_3 = vector.broadcast %broadcast_in_dim3A : f32 to vector<16xf32>
      %scan3A = arith.constant 0 : i32
      %scan3A_4 = arith.constant 0 : i32
      %scan3A_5 = arith.constant 528 : i32
      %scan3A_6 = arith.addi %scan3A_4, %scan3A_5 : i32
      %scan3A_7 = arith.constant 1 : i32
      scf.for %scan3A_15 = %scan3A_4 to %scan3A_6 step %scan3A_7  : i32 {
        %iota3A = tpu.iota {dimensions = array<i32: 0>} : vector<16xi32>
        %mul3A_16 = arith.constant 16 : i32
        %mul3A_17 = arith.muli %scan3A_15, %mul3A_16 : i32
        %add3A_18 = vector.broadcast %mul3A_17 : i32 to vector<16xi32>
        %add3A_19 = arith.addi %iota3A, %add3A_18 : vector<16xi32>
        %and3A = arith.constant 4095 : i32
        %and3A_20 = vector.broadcast %and3A : i32 to vector<16xi32>
        %and3A_21 = arith.andi %add3A_19, %and3A_20 : vector<16xi32>
        %mul3A_22 = arith.constant 16 : i32
        %mul3A_23 = arith.muli %scan3A_15, %mul3A_22 : i32
        %swap3A = arith.index_cast %mul3A_23 : i32 to index
        %swap3A_24 = tpu.vector_load %arg8[%swap3A] {strides = array<i32>} : memref<8448xi32, #tpu.memory_space<vmem>>, vector<16xi32>,
        tpu.vector_store %arg8[%swap3A], %and3A_21 {strides = array<i32>} : memref<8448xi32, #tpu.memory_space<vmem>>, vector<16xi32>,
        %mul3A_25 = arith.constant 16 : i32
        %mul3A_26 = arith.muli %scan3A_15, %mul3A_25 : i32
        %swap3A_27 = arith.index_cast %mul3A_26 : i32 to index
        %swap3A_28 = tpu.vector_load %arg9[%swap3A_27] {strides = array<i32>} : memref<8448xf32, #tpu.memory_space<vmem>>, vector<16xf32>,
        tpu.vector_store %arg9[%swap3A_27], %broadcast_in_dim3A_3 {strides = array<i32>} : memref<8448xf32, #tpu.memory_space<vmem>>, vector<16xf32>,
      }
      %scan3A_8 = arith.constant 528 : i32
      %scan3A_9 = arith.constant 0 : i32
      %scan3A_10 = arith.constant 0 : i32
      %scan3A_11 = arith.constant 256 : i32
      %scan3A_12 = arith.addi %scan3A_10, %scan3A_11 : i32
      %scan3A_13 = arith.constant 1 : i32
      scf.for %scan3A_15 = %scan3A_10 to %scan3A_12 step %scan3A_13  : i32 {
        %mul3A_16 = arith.constant 16 : i32
        %mul3A_17 = arith.muli %scan3A_15, %mul3A_16 : i32
        %get3A = arith.index_cast %mul3A_17 : i32 to index
        %get3A_18 = tpu.vector_load %arg6[%get3A] {strides = array<i32>} : memref<4096xi32, #tpu.memory_space<vmem>>, vector<16xi32>,
        %mul3A_19 = arith.constant 16 : i32
        %mul3A_20 = arith.muli %scan3A_15, %mul3A_19 : i32
        %get3A_21 = arith.index_cast %mul3A_20 : i32 to index
        %get3A_22 = tpu.vector_load %arg7[%get3A_21] {strides = array<i32>} : memref<4096xf32, #tpu.memory_space<vmem>>, vector<16xf32>,
        %iota3A = tpu.iota {dimensions = array<i32: 0>} : vector<16xi32>
        %mul3A_23 = arith.constant 16 : i32
        %mul3A_24 = arith.muli %scan3A_15, %mul3A_23 : i32
        %add3A_25 = vector.broadcast %mul3A_24 : i32 to vector<16xi32>
        %add3A_26 = arith.addi %iota3A, %add3A_25 : vector<16xi32>
        %lt3A = arith.constant 8192 : i32
        %lt3A_27 = vector.broadcast %lt3A : i32 to vector<16xi32>
        %lt3A_28 = arith.cmpi slt, %get3A_18, %lt3A_27 : vector<16xi32>
        tpu.vector_store_idx %arg8[%get3A_18], %add3A_26 masked %lt3A_28 : memref<8448xi32, #tpu.memory_space<vmem>>[vector<16xi32>], vector<16xi32>, vector<16xi1>
        tpu.vector_store_idx %arg9[%get3A_18], %get3A_22 masked %lt3A_28 : memref<8448xf32, #tpu.memory_space<vmem>>[vector<16xi32>], vector<16xf32>, vector<16xi1>
      }
      %scan3A_14 = arith.constant 256 : i32
      "tpu.region"() ({
        %run_scoped3A = tpu.sem_alloc : memref<!tpu.dma_semaphore, #tpu.memory_space<semaphore_mem>>
        tpu.enqueue_dma source(%arg8 : memref<8448xi32, #tpu.memory_space<vmem>>) target(%arg4 : memref<8448xi32, #tpu.memory_space<hbm>>) target_semaphore(%run_scoped3A : memref<!tpu.dma_semaphore, #tpu.memory_space<semaphore_mem>>)
        tpu.wait_dma2 semaphore(%run_scoped3A : memref<!tpu.dma_semaphore, #tpu.memory_space<semaphore_mem>>) src(%arg8 : memref<8448xi32, #tpu.memory_space<vmem>>) dst(%arg4 : memref<8448xi32, #tpu.memory_space<hbm>>)
        tpu.yield
      }) : () -> ()
      "tpu.region"() ({
        %run_scoped3A = tpu.sem_alloc : memref<!tpu.dma_semaphore, #tpu.memory_space<semaphore_mem>>
        tpu.enqueue_dma source(%arg9 : memref<8448xf32, #tpu.memory_space<vmem>>) target(%arg5 : memref<8448xf32, #tpu.memory_space<hbm>>) target_semaphore(%run_scoped3A : memref<!tpu.dma_semaphore, #tpu.memory_space<semaphore_mem>>)
        tpu.wait_dma2 semaphore(%run_scoped3A : memref<!tpu.dma_semaphore, #tpu.memory_space<semaphore_mem>>) src(%arg9 : memref<8448xf32, #tpu.memory_space<vmem>>) dst(%arg5 : memref<8448xf32, #tpu.memory_space<hbm>>)
        tpu.yield
      }) : () -> ()
    } else {
    }
    return
  }
}

#map = affine_map<(d0, d1) -> (0)>
#map1 = affine_map<(d0, d1) -> (0, 0)>
module attributes {stable_mosaic.version = 14 : i64} {
  func.func @_combine(%arg0: i32, %arg1: i32, %arg2: memref<4096xi32, #tpu.memory_space<hbm>>, %arg3: memref<8448x1024xf32, #tpu.memory_space<hbm>>, %arg4: memref<4096x1024xf32, #tpu.memory_space<hbm>>, %arg5: memref<32xi32, #tpu.memory_space<vmem>>, %arg6: memref<32x1024xf32, #tpu.memory_space<vmem>>, %arg7: memref<32x1024xf32, #tpu.memory_space<vmem>>, %arg8: memref<!tpu.dma_semaphore, #tpu.memory_space<semaphore_mem>>, %arg9: memref<!tpu.dma_semaphore, #tpu.memory_space<semaphore_mem>>, %arg10: memref<!tpu.dma_semaphore, #tpu.memory_space<semaphore_mem>>, %arg11: memref<!tpu.dma_semaphore, #tpu.memory_space<semaphore_mem>>) attributes {dimension_semantics = [#tpu.dimension_semantics<core_parallel>, #tpu.dimension_semantics<subcore_parallel>], iteration_bounds = array<i64: 2, 16>, scalar_prefetch = 0 : i64, scratch_operands = 7 : i64, tpu.core_type = #tpu.core_type<sc_vector_subcore>, window_params = [{transform_indices = #map}, {transform_indices = #map1}, {transform_indices = #map1}]} {
    %mul3A = arith.constant 2 : i32
    %mul3A_0 = arith.muli %arg1, %mul3A : i32
    %add3A = arith.addi %mul3A_0, %arg0 : i32
    %add3A_1 = arith.constant 0 : i32
    %add3A_2 = arith.addi %add3A_1, %add3A : i32
    %mul3A_3 = arith.constant 32 : i32
    %mul3A_4 = arith.muli %add3A_2, %mul3A_3 : i32
    "tpu.region"() ({
      %run_scoped3A = tpu.sem_alloc : memref<!tpu.dma_semaphore, #tpu.memory_space<semaphore_mem>>
      %dma_start3A_103 = tpu.memref_slice %arg2[%mul3A_4] : memref<4096xi32, #tpu.memory_space<hbm>> -> memref<32xi32, #tpu.memory_space<hbm>>
      %dma_start3A_104 = tpu.memref_slice %arg2[%mul3A_4] : memref<4096xi32, #tpu.memory_space<hbm>> -> memref<32xi32, #tpu.memory_space<hbm>>
      tpu.enqueue_dma source(%dma_start3A_104 : memref<32xi32, #tpu.memory_space<hbm>>) target(%arg5 : memref<32xi32, #tpu.memory_space<vmem>>) target_semaphore(%run_scoped3A : memref<!tpu.dma_semaphore, #tpu.memory_space<semaphore_mem>>)
      %dma_wait3A_105 = tpu.memref_slice %arg2[%mul3A_4] : memref<4096xi32, #tpu.memory_space<hbm>> -> memref<32xi32, #tpu.memory_space<hbm>>
      %dma_wait3A_106 = tpu.memref_slice %arg2[%mul3A_4] : memref<4096xi32, #tpu.memory_space<hbm>> -> memref<32xi32, #tpu.memory_space<hbm>>
      tpu.wait_dma2 semaphore(%run_scoped3A : memref<!tpu.dma_semaphore, #tpu.memory_space<semaphore_mem>>) src(%dma_wait3A_106 : memref<32xi32, #tpu.memory_space<hbm>>) dst(%arg5 : memref<32xi32, #tpu.memory_space<vmem>>)
      tpu.yield
    }) : () -> ()
    %dma_start3A = arith.constant 0 : i32
    %dma_start3A_5 = arith.constant 0 : i32
    %dma_start3A_6 = tpu.memref_slice %arg3[%dma_start3A, %dma_start3A_5] : memref<8448x1024xf32, #tpu.memory_space<hbm>> -> memref<8448x1024xf32, #tpu.memory_space<hbm>>
    tpu.enqueue_indirect_dma source(%dma_start3A_6 : memref<8448x1024xf32, #tpu.memory_space<hbm>>) target(%arg6 : memref<32x1024xf32, #tpu.memory_space<vmem>>) offsets(%arg5 : memref<32xi32, #tpu.memory_space<vmem>>) semaphore(%arg8 : memref<!tpu.dma_semaphore, #tpu.memory_space<semaphore_mem>>)
    %dma_wait3A = arith.constant 0 : i32
    %dma_wait3A_7 = arith.constant 0 : i32
    %dma_wait3A_8 = tpu.memref_slice %arg3[%dma_wait3A, %dma_wait3A_7] : memref<8448x1024xf32, #tpu.memory_space<hbm>> -> memref<8448x1024xf32, #tpu.memory_space<hbm>>
    tpu.wait_indirect_dma semaphore(%arg8 : memref<!tpu.dma_semaphore, #tpu.memory_space<semaphore_mem>>) src(%dma_wait3A_8 : memref<8448x1024xf32, #tpu.memory_space<hbm>>) dst(%arg6 : memref<32x1024xf32, #tpu.memory_space<vmem>>)
    %add3A_9 = arith.constant 32 : i32
    %add3A_10 = arith.addi %add3A_9, %add3A : i32
    %mul3A_11 = arith.constant 32 : i32
    %mul3A_12 = arith.muli %add3A_10, %mul3A_11 : i32
    "tpu.region"() ({
      %run_scoped3A = tpu.sem_alloc : memref<!tpu.dma_semaphore, #tpu.memory_space<semaphore_mem>>
      %dma_start3A_103 = tpu.memref_slice %arg2[%mul3A_12] : memref<4096xi32, #tpu.memory_space<hbm>> -> memref<32xi32, #tpu.memory_space<hbm>>
      %dma_start3A_104 = tpu.memref_slice %arg2[%mul3A_12] : memref<4096xi32, #tpu.memory_space<hbm>> -> memref<32xi32, #tpu.memory_space<hbm>>
      tpu.enqueue_dma source(%dma_start3A_104 : memref<32xi32, #tpu.memory_space<hbm>>) target(%arg5 : memref<32xi32, #tpu.memory_space<vmem>>) target_semaphore(%run_scoped3A : memref<!tpu.dma_semaphore, #tpu.memory_space<semaphore_mem>>)
      %dma_wait3A_105 = tpu.memref_slice %arg2[%mul3A_12] : memref<4096xi32, #tpu.memory_space<hbm>> -> memref<32xi32, #tpu.memory_space<hbm>>
      %dma_wait3A_106 = tpu.memref_slice %arg2[%mul3A_12] : memref<4096xi32, #tpu.memory_space<hbm>> -> memref<32xi32, #tpu.memory_space<hbm>>
      tpu.wait_dma2 semaphore(%run_scoped3A : memref<!tpu.dma_semaphore, #tpu.memory_space<semaphore_mem>>) src(%dma_wait3A_106 : memref<32xi32, #tpu.memory_space<hbm>>) dst(%arg5 : memref<32xi32, #tpu.memory_space<vmem>>)
      tpu.yield
    }) : () -> ()
    %dma_start3A_13 = arith.constant 0 : i32
    %dma_start3A_14 = arith.constant 0 : i32
    %dma_start3A_15 = tpu.memref_slice %arg3[%dma_start3A_13, %dma_start3A_14] : memref<8448x1024xf32, #tpu.memory_space<hbm>> -> memref<8448x1024xf32, #tpu.memory_space<hbm>>
    tpu.enqueue_indirect_dma source(%dma_start3A_15 : memref<8448x1024xf32, #tpu.memory_space<hbm>>) target(%arg7 : memref<32x1024xf32, #tpu.memory_space<vmem>>) offsets(%arg5 : memref<32xi32, #tpu.memory_space<vmem>>) semaphore(%arg9 : memref<!tpu.dma_semaphore, #tpu.memory_space<semaphore_mem>>)
    %add3A_16 = arith.constant 0 : i32
    %add3A_17 = arith.addi %add3A_16, %add3A : i32
    %mul3A_18 = arith.constant 32 : i32
    %mul3A_19 = arith.muli %add3A_17, %mul3A_18 : i32
    %dma_start3A_20 = arith.constant 0 : i32
    %dma_start3A_21 = tpu.memref_slice %arg4[%mul3A_19, %dma_start3A_20] : memref<4096x1024xf32, #tpu.memory_space<hbm>> -> memref<32x1024xf32, #tpu.memory_space<hbm>>
    %dma_start3A_22 = arith.constant 0 : i32
    %dma_start3A_23 = tpu.memref_slice %arg4[%mul3A_19, %dma_start3A_22] : memref<4096x1024xf32, #tpu.memory_space<hbm>> -> memref<32x1024xf32, #tpu.memory_space<hbm>>
    tpu.enqueue_dma source(%arg6 : memref<32x1024xf32, #tpu.memory_space<vmem>>) target(%dma_start3A_23 : memref<32x1024xf32, #tpu.memory_space<hbm>>) target_semaphore(%arg10 : memref<!tpu.dma_semaphore, #tpu.memory_space<semaphore_mem>>)
    %dma_wait3A_24 = arith.constant 0 : i32
    %dma_wait3A_25 = arith.constant 0 : i32
    %dma_wait3A_26 = tpu.memref_slice %arg3[%dma_wait3A_24, %dma_wait3A_25] : memref<8448x1024xf32, #tpu.memory_space<hbm>> -> memref<8448x1024xf32, #tpu.memory_space<hbm>>
    tpu.wait_indirect_dma semaphore(%arg9 : memref<!tpu.dma_semaphore, #tpu.memory_space<semaphore_mem>>) src(%dma_wait3A_26 : memref<8448x1024xf32, #tpu.memory_space<hbm>>) dst(%arg7 : memref<32x1024xf32, #tpu.memory_space<vmem>>)
    %add3A_27 = arith.constant 0 : i32
    %add3A_28 = arith.addi %add3A_27, %add3A : i32
    %mul3A_29 = arith.constant 32 : i32
    %mul3A_30 = arith.muli %add3A_28, %mul3A_29 : i32
    %dma_wait3A_31 = arith.constant 0 : i32
    %dma_wait3A_32 = tpu.memref_slice %arg4[%mul3A_30, %dma_wait3A_31] : memref<4096x1024xf32, #tpu.memory_space<hbm>> -> memref<32x1024xf32, #tpu.memory_space<hbm>>
    %dma_wait3A_33 = arith.constant 0 : i32
    %dma_wait3A_34 = tpu.memref_slice %arg4[%mul3A_30, %dma_wait3A_33] : memref<4096x1024xf32, #tpu.memory_space<hbm>> -> memref<32x1024xf32, #tpu.memory_space<hbm>>
    tpu.wait_dma2 semaphore(%arg10 : memref<!tpu.dma_semaphore, #tpu.memory_space<semaphore_mem>>) src(%arg6 : memref<32x1024xf32, #tpu.memory_space<vmem>>) dst(%dma_wait3A_34 : memref<32x1024xf32, #tpu.memory_space<hbm>>)
    %add3A_35 = arith.constant 64 : i32
    %add3A_36 = arith.addi %add3A_35, %add3A : i32
    %mul3A_37 = arith.constant 32 : i32
    %mul3A_38 = arith.muli %add3A_36, %mul3A_37 : i32
    "tpu.region"() ({
      %run_scoped3A = tpu.sem_alloc : memref<!tpu.dma_semaphore, #tpu.memory_space<semaphore_mem>>
      %dma_start3A_103 = tpu.memref_slice %arg2[%mul3A_38] : memref<4096xi32, #tpu.memory_space<hbm>> -> memref<32xi32, #tpu.memory_space<hbm>>
      %dma_start3A_104 = tpu.memref_slice %arg2[%mul3A_38] : memref<4096xi32, #tpu.memory_space<hbm>> -> memref<32xi32, #tpu.memory_space<hbm>>
      tpu.enqueue_dma source(%dma_start3A_104 : memref<32xi32, #tpu.memory_space<hbm>>) target(%arg5 : memref<32xi32, #tpu.memory_space<vmem>>) target_semaphore(%run_scoped3A : memref<!tpu.dma_semaphore, #tpu.memory_space<semaphore_mem>>)
      %dma_wait3A_105 = tpu.memref_slice %arg2[%mul3A_38] : memref<4096xi32, #tpu.memory_space<hbm>> -> memref<32xi32, #tpu.memory_space<hbm>>
      %dma_wait3A_106 = tpu.memref_slice %arg2[%mul3A_38] : memref<4096xi32, #tpu.memory_space<hbm>> -> memref<32xi32, #tpu.memory_space<hbm>>
      tpu.wait_dma2 semaphore(%run_scoped3A : memref<!tpu.dma_semaphore, #tpu.memory_space<semaphore_mem>>) src(%dma_wait3A_106 : memref<32xi32, #tpu.memory_space<hbm>>) dst(%arg5 : memref<32xi32, #tpu.memory_space<vmem>>)
      tpu.yield
    }) : () -> ()
    %dma_start3A_39 = arith.constant 0 : i32
    %dma_start3A_40 = arith.constant 0 : i32
    %dma_start3A_41 = tpu.memref_slice %arg3[%dma_start3A_39, %dma_start3A_40] : memref<8448x1024xf32, #tpu.memory_space<hbm>> -> memref<8448x1024xf32, #tpu.memory_space<hbm>>
    tpu.enqueue_indirect_dma source(%dma_start3A_41 : memref<8448x1024xf32, #tpu.memory_space<hbm>>) target(%arg6 : memref<32x1024xf32, #tpu.memory_space<vmem>>) offsets(%arg5 : memref<32xi32, #tpu.memory_space<vmem>>) semaphore(%arg8 : memref<!tpu.dma_semaphore, #tpu.memory_space<semaphore_mem>>)
    %add3A_42 = arith.constant 32 : i32
    %add3A_43 = arith.addi %add3A_42, %add3A : i32
    %mul3A_44 = arith.constant 32 : i32
    %mul3A_45 = arith.muli %add3A_43, %mul3A_44 : i32
    %dma_start3A_46 = arith.constant 0 : i32
    %dma_start3A_47 = tpu.memref_slice %arg4[%mul3A_45, %dma_start3A_46] : memref<4096x1024xf32, #tpu.memory_space<hbm>> -> memref<32x1024xf32, #tpu.memory_space<hbm>>
    %dma_start3A_48 = arith.constant 0 : i32
    %dma_start3A_49 = tpu.memref_slice %arg4[%mul3A_45, %dma_start3A_48] : memref<4096x1024xf32, #tpu.memory_space<hbm>> -> memref<32x1024xf32, #tpu.memory_space<hbm>>
    tpu.enqueue_dma source(%arg7 : memref<32x1024xf32, #tpu.memory_space<vmem>>) target(%dma_start3A_49 : memref<32x1024xf32, #tpu.memory_space<hbm>>) target_semaphore(%arg11 : memref<!tpu.dma_semaphore, #tpu.memory_space<semaphore_mem>>)
    %dma_wait3A_50 = arith.constant 0 : i32
    %dma_wait3A_51 = arith.constant 0 : i32
    %dma_wait3A_52 = tpu.memref_slice %arg3[%dma_wait3A_50, %dma_wait3A_51] : memref<8448x1024xf32, #tpu.memory_space<hbm>> -> memref<8448x1024xf32, #tpu.memory_space<hbm>>
    tpu.wait_indirect_dma semaphore(%arg8 : memref<!tpu.dma_semaphore, #tpu.memory_space<semaphore_mem>>) src(%dma_wait3A_52 : memref<8448x1024xf32, #tpu.memory_space<hbm>>) dst(%arg6 : memref<32x1024xf32, #tpu.memory_space<vmem>>)
    %add3A_53 = arith.constant 32 : i32
    %add3A_54 = arith.addi %add3A_53, %add3A : i32
    %mul3A_55 = arith.constant 32 : i32
    %mul3A_56 = arith.muli %add3A_54, %mul3A_55 : i32
    %dma_wait3A_57 = arith.constant 0 : i32
    %dma_wait3A_58 = tpu.memref_slice %arg4[%mul3A_56, %dma_wait3A_57] : memref<4096x1024xf32, #tpu.memory_space<hbm>> -> memref<32x1024xf32, #tpu.memory_space<hbm>>
    %dma_wait3A_59 = arith.constant 0 : i32
    %dma_wait3A_60 = tpu.memref_slice %arg4[%mul3A_56, %dma_wait3A_59] : memref<4096x1024xf32, #tpu.memory_space<hbm>> -> memref<32x1024xf32, #tpu.memory_space<hbm>>
    tpu.wait_dma2 semaphore(%arg11 : memref<!tpu.dma_semaphore, #tpu.memory_space<semaphore_mem>>) src(%arg7 : memref<32x1024xf32, #tpu.memory_space<vmem>>) dst(%dma_wait3A_60 : memref<32x1024xf32, #tpu.memory_space<hbm>>)
    %add3A_61 = arith.constant 96 : i32
    %add3A_62 = arith.addi %add3A_61, %add3A : i32
    %mul3A_63 = arith.constant 32 : i32
    %mul3A_64 = arith.muli %add3A_62, %mul3A_63 : i32
    "tpu.region"() ({
      %run_scoped3A = tpu.sem_alloc : memref<!tpu.dma_semaphore, #tpu.memory_space<semaphore_mem>>
      %dma_start3A_103 = tpu.memref_slice %arg2[%mul3A_64] : memref<4096xi32, #tpu.memory_space<hbm>> -> memref<32xi32, #tpu.memory_space<hbm>>
      %dma_start3A_104 = tpu.memref_slice %arg2[%mul3A_64] : memref<4096xi32, #tpu.memory_space<hbm>> -> memref<32xi32, #tpu.memory_space<hbm>>
      tpu.enqueue_dma source(%dma_start3A_104 : memref<32xi32, #tpu.memory_space<hbm>>) target(%arg5 : memref<32xi32, #tpu.memory_space<vmem>>) target_semaphore(%run_scoped3A : memref<!tpu.dma_semaphore, #tpu.memory_space<semaphore_mem>>)
      %dma_wait3A_105 = tpu.memref_slice %arg2[%mul3A_64] : memref<4096xi32, #tpu.memory_space<hbm>> -> memref<32xi32, #tpu.memory_space<hbm>>
      %dma_wait3A_106 = tpu.memref_slice %arg2[%mul3A_64] : memref<4096xi32, #tpu.memory_space<hbm>> -> memref<32xi32, #tpu.memory_space<hbm>>
      tpu.wait_dma2 semaphore(%run_scoped3A : memref<!tpu.dma_semaphore, #tpu.memory_space<semaphore_mem>>) src(%dma_wait3A_106 : memref<32xi32, #tpu.memory_space<hbm>>) dst(%arg5 : memref<32xi32, #tpu.memory_space<vmem>>)
      tpu.yield
    }) : () -> ()
    %dma_start3A_65 = arith.constant 0 : i32
    %dma_start3A_66 = arith.constant 0 : i32
    %dma_start3A_67 = tpu.memref_slice %arg3[%dma_start3A_65, %dma_start3A_66] : memref<8448x1024xf32, #tpu.memory_space<hbm>> -> memref<8448x1024xf32, #tpu.memory_space<hbm>>
    tpu.enqueue_indirect_dma source(%dma_start3A_67 : memref<8448x1024xf32, #tpu.memory_space<hbm>>) target(%arg7 : memref<32x1024xf32, #tpu.memory_space<vmem>>) offsets(%arg5 : memref<32xi32, #tpu.memory_space<vmem>>) semaphore(%arg9 : memref<!tpu.dma_semaphore, #tpu.memory_space<semaphore_mem>>)
    %add3A_68 = arith.constant 64 : i32
    %add3A_69 = arith.addi %add3A_68, %add3A : i32
    %mul3A_70 = arith.constant 32 : i32
    %mul3A_71 = arith.muli %add3A_69, %mul3A_70 : i32
    %dma_start3A_72 = arith.constant 0 : i32
    %dma_start3A_73 = tpu.memref_slice %arg4[%mul3A_71, %dma_start3A_72] : memref<4096x1024xf32, #tpu.memory_space<hbm>> -> memref<32x1024xf32, #tpu.memory_space<hbm>>
    %dma_start3A_74 = arith.constant 0 : i32
    %dma_start3A_75 = tpu.memref_slice %arg4[%mul3A_71, %dma_start3A_74] : memref<4096x1024xf32, #tpu.memory_space<hbm>> -> memref<32x1024xf32, #tpu.memory_space<hbm>>
    tpu.enqueue_dma source(%arg6 : memref<32x1024xf32, #tpu.memory_space<vmem>>) target(%dma_start3A_75 : memref<32x1024xf32, #tpu.memory_space<hbm>>) target_semaphore(%arg10 : memref<!tpu.dma_semaphore, #tpu.memory_space<semaphore_mem>>)
    %dma_wait3A_76 = arith.constant 0 : i32
    %dma_wait3A_77 = arith.constant 0 : i32
    %dma_wait3A_78 = tpu.memref_slice %arg3[%dma_wait3A_76, %dma_wait3A_77] : memref<8448x1024xf32, #tpu.memory_space<hbm>> -> memref<8448x1024xf32, #tpu.memory_space<hbm>>
    tpu.wait_indirect_dma semaphore(%arg9 : memref<!tpu.dma_semaphore, #tpu.memory_space<semaphore_mem>>) src(%dma_wait3A_78 : memref<8448x1024xf32, #tpu.memory_space<hbm>>) dst(%arg7 : memref<32x1024xf32, #tpu.memory_space<vmem>>)
    %add3A_79 = arith.constant 96 : i32
    %add3A_80 = arith.addi %add3A_79, %add3A : i32
    %mul3A_81 = arith.constant 32 : i32
    %mul3A_82 = arith.muli %add3A_80, %mul3A_81 : i32
    %dma_start3A_83 = arith.constant 0 : i32
    %dma_start3A_84 = tpu.memref_slice %arg4[%mul3A_82, %dma_start3A_83] : memref<4096x1024xf32, #tpu.memory_space<hbm>> -> memref<32x1024xf32, #tpu.memory_space<hbm>>
    %dma_start3A_85 = arith.constant 0 : i32
    %dma_start3A_86 = tpu.memref_slice %arg4[%mul3A_82, %dma_start3A_85] : memref<4096x1024xf32, #tpu.memory_space<hbm>> -> memref<32x1024xf32, #tpu.memory_space<hbm>>
    tpu.enqueue_dma source(%arg7 : memref<32x1024xf32, #tpu.memory_space<vmem>>) target(%dma_start3A_86 : memref<32x1024xf32, #tpu.memory_space<hbm>>) target_semaphore(%arg11 : memref<!tpu.dma_semaphore, #tpu.memory_space<semaphore_mem>>)
    %add3A_87 = arith.constant 96 : i32
    %add3A_88 = arith.addi %add3A_87, %add3A : i32
    %mul3A_89 = arith.constant 32 : i32
    %mul3A_90 = arith.muli %add3A_88, %mul3A_89 : i32
    %dma_wait3A_91 = arith.constant 0 : i32
    %dma_wait3A_92 = tpu.memref_slice %arg4[%mul3A_90, %dma_wait3A_91] : memref<4096x1024xf32, #tpu.memory_space<hbm>> -> memref<32x1024xf32, #tpu.memory_space<hbm>>
    %dma_wait3A_93 = arith.constant 0 : i32
    %dma_wait3A_94 = tpu.memref_slice %arg4[%mul3A_90, %dma_wait3A_93] : memref<4096x1024xf32, #tpu.memory_space<hbm>> -> memref<32x1024xf32, #tpu.memory_space<hbm>>
    tpu.wait_dma2 semaphore(%arg11 : memref<!tpu.dma_semaphore, #tpu.memory_space<semaphore_mem>>) src(%arg7 : memref<32x1024xf32, #tpu.memory_space<vmem>>) dst(%dma_wait3A_94 : memref<32x1024xf32, #tpu.memory_space<hbm>>)
    %add3A_95 = arith.constant 64 : i32
    %add3A_96 = arith.addi %add3A_95, %add3A : i32
    %mul3A_97 = arith.constant 32 : i32
    %mul3A_98 = arith.muli %add3A_96, %mul3A_97 : i32
    %dma_wait3A_99 = arith.constant 0 : i32
    %dma_wait3A_100 = tpu.memref_slice %arg4[%mul3A_98, %dma_wait3A_99] : memref<4096x1024xf32, #tpu.memory_space<hbm>> -> memref<32x1024xf32, #tpu.memory_space<hbm>>
    %dma_wait3A_101 = arith.constant 0 : i32
    %dma_wait3A_102 = tpu.memref_slice %arg4[%mul3A_98, %dma_wait3A_101] : memref<4096x1024xf32, #tpu.memory_space<hbm>> -> memref<32x1024xf32, #tpu.memory_space<hbm>>
    tpu.wait_dma2 semaphore(%arg10 : memref<!tpu.dma_semaphore, #tpu.memory_space<semaphore_mem>>) src(%arg6 : memref<32x1024xf32, #tpu.memory_space<vmem>>) dst(%dma_wait3A_102 : memref<32x1024xf32, #tpu.memory_space<hbm>>)
    return
  }
}

module attributes {stable_mosaic.version = 14 : i64} {
  func.func @_expert_body(%arg0: i32, %arg1: memref<256x1024xf32, #tpu.memory_space<vmem>>, %arg2: memref<1024x1024xf32, #tpu.memory_space<vmem>>, %arg3: memref<1024x1024xf32, #tpu.memory_space<vmem>>, %arg4: memref<256xf32, #tpu.memory_space<vmem>>, %arg5: memref<256x1024xf32, #tpu.memory_space<vmem>>) attributes {dimension_semantics = [#tpu.dimension_semantics<arbitrary>], iteration_bounds = array<i64: 33>, scalar_prefetch = 0 : i64, scratch_operands = 0 : i64, tpu.core_type = #tpu.core_type<tc>, window_params = [{transform_indices = @transform_0, window_bounds = array<i64: 256, 1024>}, {transform_indices = @transform_1, window_bounds = array<i64: 1024, 1024>}, {transform_indices = @transform_2, window_bounds = array<i64: 1024, 1024>}, {transform_indices = @transform_3, window_bounds = array<i64: 256>}, {transform_indices = @transform_4, window_bounds = array<i64: 256, 1024>}]} {
    %get3A = arith.constant 0 : index
    %get3A_0 = arith.constant 0 : index
    %get3A_1 = vector.load %arg1[%get3A, %get3A_0] : memref<256x1024xf32, #tpu.memory_space<vmem>>, vector<128x1024xf32>
    %get3A_2 = arith.constant 0 : index
    %get3A_3 = arith.constant 0 : index
    %get3A_4 = vector.load %arg2[%get3A_2, %get3A_3] : memref<1024x1024xf32, #tpu.memory_space<vmem>>, vector<1024x512xf32>
    %dot_general3A = arith.constant dense<0.000000e+00> : vector<128x512xf32>
    %dot_general3A_5 = tpu.matmul %get3A_1, %get3A_4, %dot_general3A {dimension_numbers = #tpu.dot_dimension_numbers<[1], [0], [0], [1], [0, 0, 1, 1], [], []>, transpose_lhs_hint = false} : vector<128x1024xf32>, vector<1024x512xf32>, vector<128x512xf32> -> vector<128x512xf32>
    %logistic3A = arith.negf %dot_general3A_5 : vector<128x512xf32>
    %logistic3A_6 = math.exp %logistic3A : vector<128x512xf32>
    %logistic3A_7 = arith.constant 1.000000e+00 : f32
    %logistic3A_8 = vector.broadcast %logistic3A_7 : f32 to vector<128x512xf32>
    %logistic3A_9 = arith.addf %logistic3A_8, %logistic3A_6 : vector<128x512xf32>
    %logistic3A_10 = arith.divf %logistic3A_8, %logistic3A_9 : vector<128x512xf32>
    %mul3A = arith.mulf %dot_general3A_5, %logistic3A_10 : vector<128x512xf32>
    %get3A_11 = arith.constant 0 : index
    %get3A_12 = arith.constant 0 : index
    %get3A_13 = vector.load %arg3[%get3A_11, %get3A_12] : memref<1024x1024xf32, #tpu.memory_space<vmem>>, vector<512x1024xf32>
    %dot_general3A_14 = arith.constant dense<0.000000e+00> : vector<128x1024xf32>
    %dot_general3A_15 = tpu.matmul %mul3A, %get3A_13, %dot_general3A_14 {dimension_numbers = #tpu.dot_dimension_numbers<[1], [0], [0], [1], [0, 0, 1, 1], [], []>, transpose_lhs_hint = false} : vector<128x512xf32>, vector<512x1024xf32>, vector<128x1024xf32> -> vector<128x1024xf32>
    %get3A_16 = arith.constant 0 : index
    %get3A_17 = vector.load %arg4[%get3A_16] : memref<256xf32, #tpu.memory_space<vmem>>, vector<128xf32>
    %reshape3A = vector.shape_cast %get3A_17 : vector<128xf32> to vector<128x1xf32>
    %mul3A_18 = vector.broadcast %reshape3A : vector<128x1xf32> to vector<128x1024xf32>
    %mul3A_19 = arith.mulf %dot_general3A_15, %mul3A_18 : vector<128x1024xf32>
    %swap3A = arith.constant 0 : index
    %swap3A_20 = arith.constant 0 : index
    %swap3A_21 = vector.load %arg5[%swap3A, %swap3A_20] : memref<256x1024xf32, #tpu.memory_space<vmem>>, vector<128x1024xf32>
    tpu.vector_store %arg5[%swap3A, %swap3A_20], %mul3A_19 {strides = array<i32>} : memref<256x1024xf32, #tpu.memory_space<vmem>>, vector<128x1024xf32>,
    %get3A_22 = arith.constant 128 : index
    %get3A_23 = arith.constant 0 : index
    %get3A_24 = vector.load %arg1[%get3A_22, %get3A_23] : memref<256x1024xf32, #tpu.memory_space<vmem>>, vector<128x1024xf32>
    %get3A_25 = arith.constant 0 : index
    %get3A_26 = arith.constant 512 : index
    %get3A_27 = vector.load %arg2[%get3A_25, %get3A_26] : memref<1024x1024xf32, #tpu.memory_space<vmem>>, vector<1024x512xf32>
    %dot_general3A_28 = arith.constant dense<0.000000e+00> : vector<128x512xf32>
    %dot_general3A_29 = tpu.matmul %get3A_24, %get3A_27, %dot_general3A_28 {dimension_numbers = #tpu.dot_dimension_numbers<[1], [0], [0], [1], [0, 0, 1, 1], [], []>, transpose_lhs_hint = false} : vector<128x1024xf32>, vector<1024x512xf32>, vector<128x512xf32> -> vector<128x512xf32>
    %logistic3A_30 = arith.negf %dot_general3A_29 : vector<128x512xf32>
    %logistic3A_31 = math.exp %logistic3A_30 : vector<128x512xf32>
    %logistic3A_32 = arith.constant 1.000000e+00 : f32
    %logistic3A_33 = vector.broadcast %logistic3A_32 : f32 to vector<128x512xf32>
    %logistic3A_34 = arith.addf %logistic3A_33, %logistic3A_31 : vector<128x512xf32>
    %logistic3A_35 = arith.divf %logistic3A_33, %logistic3A_34 : vector<128x512xf32>
    %mul3A_36 = arith.mulf %dot_general3A_29, %logistic3A_35 : vector<128x512xf32>
    %get3A_37 = arith.constant 512 : index
    %get3A_38 = arith.constant 0 : index
    %get3A_39 = vector.load %arg3[%get3A_37, %get3A_38] : memref<1024x1024xf32, #tpu.memory_space<vmem>>, vector<512x1024xf32>
    %dot_general3A_40 = arith.constant dense<0.000000e+00> : vector<128x1024xf32>
    %dot_general3A_41 = tpu.matmul %mul3A_36, %get3A_39, %dot_general3A_40 {dimension_numbers = #tpu.dot_dimension_numbers<[1], [0], [0], [1], [0, 0, 1, 1], [], []>, transpose_lhs_hint = false} : vector<128x512xf32>, vector<512x1024xf32>, vector<128x1024xf32> -> vector<128x1024xf32>
    %get3A_42 = arith.constant 128 : index
    %get3A_43 = vector.load %arg4[%get3A_42] : memref<256xf32, #tpu.memory_space<vmem>>, vector<128xf32>
    %reshape3A_44 = vector.shape_cast %get3A_43 : vector<128xf32> to vector<128x1xf32>
    %mul3A_45 = vector.broadcast %reshape3A_44 : vector<128x1xf32> to vector<128x1024xf32>
    %mul3A_46 = arith.mulf %dot_general3A_41, %mul3A_45 : vector<128x1024xf32>
    %swap3A_47 = arith.constant 128 : index
    %swap3A_48 = arith.constant 0 : index
    %swap3A_49 = vector.load %arg5[%swap3A_47, %swap3A_48] : memref<256x1024xf32, #tpu.memory_space<vmem>>, vector<128x1024xf32>
    tpu.vector_store %arg5[%swap3A_47, %swap3A_48], %mul3A_46 {strides = array<i32>} : memref<256x1024xf32, #tpu.memory_space<vmem>>, vector<128x1024xf32>,
    return
  }
  func.func @transform_0(%arg0: i32) -> (i32, i32) {
    %c0_i32 = arith.constant 0 : i32
    %c0_i32_0 = arith.constant 0 : i32
    return %arg0, %c0_i32 : i32, i32
  }
  func.func @transform_1(%arg0: i32) -> (i32, i32) {
    %min3A = arith.constant 31 : i32
    %min3A_0 = arith.minsi %arg0, %min3A : i32
    %c0_i32 = arith.constant 0 : i32
    %c0_i32_1 = arith.constant 0 : i32
    return %c0_i32, %min3A_0 : i32, i32
  }
  func.func @transform_2(%arg0: i32) -> (i32, i32) {
    %min3A = arith.constant 31 : i32
    %min3A_0 = arith.minsi %arg0, %min3A : i32
    %c0_i32 = arith.constant 0 : i32
    %c0_i32_1 = arith.constant 0 : i32
    return %min3A_0, %c0_i32 : i32, i32
  }
  func.func @transform_3(%arg0: i32) -> i32 {
    %c0_i32 = arith.constant 0 : i32
    return %arg0 : i32
  }
  func.func @transform_4(%arg0: i32) -> (i32, i32) {
    %c0_i32 = arith.constant 0 : i32
    %c0_i32_0 = arith.constant 0 : i32
    return %arg0, %c0_i32 : i32, i32
  }
}

module attributes {stable_mosaic.version = 14 : i64} {
  func.func @_router_body(%arg0: i32, %arg1: memref<512x1024xf32, #tpu.memory_space<vmem>>, %arg2: memref<1024x64xf32, #tpu.memory_space<vmem>>, %arg3: memref<512xi32, #tpu.memory_space<vmem>>, %arg4: memref<512xf32, #tpu.memory_space<vmem>>, %arg5: memref<64x1xf32, #tpu.memory_space<vmem>>) attributes {dimension_semantics = [#tpu.dimension_semantics<arbitrary>], iteration_bounds = array<i64: 8>, scalar_prefetch = 0 : i64, scratch_operands = 1 : i64, tpu.core_type = #tpu.core_type<tc>, window_params = [{transform_indices = @transform_0, window_bounds = array<i64: 512, 1024>}, {pipeline_mode = #tpu.pipeline_mode<synchronous>, transform_indices = @transform_1, window_bounds = array<i64: 1024, 64>}, {transform_indices = @transform_2, window_bounds = array<i64: 512>}, {transform_indices = @transform_3, window_bounds = array<i64: 512>}]} {
    %eq3A = arith.constant 0 : i32
    %eq3A_0 = arith.cmpi eq, %arg0, %eq3A : i32
    %convert_element_type3A = arith.extui %eq3A_0 : i1 to i32
    %cond3A = arith.constant 0 : i32
    %cond3A_1 = arith.cmpi ne, %convert_element_type3A, %cond3A : i32
    scf.if %cond3A_1 {
      %broadcast_in_dim3A_61 = arith.constant 0.000000e+00 : f32
      %broadcast_in_dim3A_62 = vector.broadcast %broadcast_in_dim3A_61 : f32 to vector<64x1xf32>
      %swap3A_63 = arith.constant 0 : index
      %swap3A_64 = arith.constant 0 : index
      %swap3A_65 = vector.load %arg5[%swap3A_63, %swap3A_64] : memref<64x1xf32, #tpu.memory_space<vmem>>, vector<64x1xf32>
      tpu.vector_store %arg5[%swap3A_63, %swap3A_64], %broadcast_in_dim3A_62 {strides = array<i32>} : memref<64x1xf32, #tpu.memory_space<vmem>>, vector<64x1xf32>,
    } else {
    }
    %get3A = arith.constant 0 : index
    %get3A_2 = arith.constant 0 : index
    %get3A_3 = vector.load %arg1[%get3A, %get3A_2] : memref<512x1024xf32, #tpu.memory_space<vmem>>, vector<512x1024xf32>
    %get3A_4 = arith.constant 0 : index
    %get3A_5 = arith.constant 0 : index
    %get3A_6 = vector.load %arg2[%get3A_4, %get3A_5] : memref<1024x64xf32, #tpu.memory_space<vmem>>, vector<1024x64xf32>
    %dot_general3A = arith.constant dense<0.000000e+00> : vector<64x512xf32>
    %dot_general3A_7 = tpu.matmul %get3A_6, %get3A_3, %dot_general3A {dimension_numbers = #tpu.dot_dimension_numbers<[0], [1], [1], [0], [0, 1, 1, 0], [], []>, transpose_lhs_hint = false} : vector<1024x64xf32>, vector<512x1024xf32>, vector<64x512xf32> -> vector<64x512xf32>
    %reduce_max3A = arith.constant dense<0xFF800000> : vector<512xf32>
    %reduce_max3A_8 = vector.multi_reduction <maximumf>, %dot_general3A_7, %reduce_max3A [0] : vector<64x512xf32> to vector<512xf32>
    %broadcast_in_dim3A = vector.shape_cast %reduce_max3A_8 : vector<512xf32> to vector<1x512xf32>
    %sub3A = vector.broadcast %broadcast_in_dim3A : vector<1x512xf32> to vector<64x512xf32>
    %sub3A_9 = arith.subf %dot_general3A_7, %sub3A : vector<64x512xf32>
    %exp3A = math.exp %sub3A_9 : vector<64x512xf32>
    %reduce_sum3A = arith.constant dense<0.000000e+00> : vector<512xf32>
    %reduce_sum3A_10 = vector.multi_reduction <add>, %exp3A, %reduce_sum3A [0] : vector<64x512xf32> to vector<512xf32>
    %div3A = arith.constant 1.000000e+00 : f32
    %div3A_11 = vector.broadcast %div3A : f32 to vector<512xf32>
    %div3A_12 = arith.divf %div3A_11, %reduce_sum3A_10 : vector<512xf32>
    %iota3A = tpu.iota {dimensions = array<i32: 0>} : vector<64x512xi32>
    %eq3A_13 = vector.broadcast %broadcast_in_dim3A : vector<1x512xf32> to vector<64x512xf32>
    %eq3A_14 = arith.cmpf oeq, %dot_general3A_7, %eq3A_13 : vector<64x512xf32>
    %jit3A = arith.constant 64 : i32
    %broadcast_in_dim3A_15 = vector.broadcast %jit3A : i32 to vector<64x512xi32>
    %select_n3A = arith.select %eq3A_14, %iota3A, %broadcast_in_dim3A_15 : vector<64x512xi1>, vector<64x512xi32>
    %reduce_min3A = arith.constant dense<2147483647> : vector<512xi32>
    %reduce_min3A_16 = vector.multi_reduction <minsi>, %select_n3A, %reduce_min3A [0] : vector<64x512xi32> to vector<512xi32>
    %broadcast_in_dim3A_17 = vector.shape_cast %reduce_min3A_16 : vector<512xi32> to vector<1x512xi32>
    %eq3A_18 = vector.broadcast %broadcast_in_dim3A_17 : vector<1x512xi32> to vector<64x512xi32>
    %eq3A_19 = arith.cmpi eq, %iota3A, %eq3A_18 : vector<64x512xi32>
    %convert_element_type3A_20 = arith.extui %eq3A_19 : vector<64x512xi1> to vector<64x512xi32>
    %convert_element_type3A_21 = arith.sitofp %convert_element_type3A_20 : vector<64x512xi32> to vector<64x512xf32>
    %iota3A_22 = tpu.iota {dimensions = array<i32: 0>} : vector<512x512xi32>
    %iota3A_23 = tpu.iota {dimensions = array<i32: 1>} : vector<512x512xi32>
    %lt3A = arith.cmpi slt, %iota3A_22, %iota3A_23 : vector<512x512xi32>
    %convert_element_type3A_24 = arith.extui %lt3A : vector<512x512xi1> to vector<512x512xi32>
    %convert_element_type3A_25 = arith.sitofp %convert_element_type3A_24 : vector<512x512xi32> to vector<512x512xf32>
    %dot_general3A_26 = arith.constant dense<0.000000e+00> : vector<64x512xf32>
    %dot_general3A_27 = tpu.matmul %convert_element_type3A_21, %convert_element_type3A_25, %dot_general3A_26 {dimension_numbers = #tpu.dot_dimension_numbers<[1], [0], [0], [1], [0, 0, 1, 1], [], []>, transpose_lhs_hint = false} : vector<64x512xf32>, vector<512x512xf32>, vector<64x512xf32> -> vector<64x512xf32>
    %mul3A = arith.mulf %dot_general3A_27, %convert_element_type3A_21 : vector<64x512xf32>
    %reduce_sum3A_28 = arith.constant dense<0.000000e+00> : vector<512xf32>
    %reduce_sum3A_29 = vector.multi_reduction <add>, %mul3A, %reduce_sum3A_28 [0] : vector<64x512xf32> to vector<512xf32>
    %get3A_30 = arith.constant 0 : index
    %get3A_31 = arith.constant 0 : index
    %get3A_32 = vector.load %arg5[%get3A_30, %get3A_31] : memref<64x1xf32, #tpu.memory_space<vmem>>, vector<64x1xf32>
    %mul3A_33 = vector.broadcast %get3A_32 : vector<64x1xf32> to vector<64x512xf32>
    %mul3A_34 = arith.mulf %mul3A_33, %convert_element_type3A_21 : vector<64x512xf32>
    %reduce_sum3A_35 = arith.constant dense<0.000000e+00> : vector<512xf32>
    %reduce_sum3A_36 = vector.multi_reduction <add>, %mul3A_34, %reduce_sum3A_35 [0] : vector<64x512xf32> to vector<512xf32>
    %add3A = arith.addf %reduce_sum3A_36, %reduce_sum3A_29 : vector<512xf32>
    %lt3A_37 = arith.constant 1.280000e+02 : f32
    %lt3A_38 = vector.broadcast %lt3A_37 : f32 to vector<512xf32>
    %lt3A_39 = arith.cmpf olt, %add3A, %lt3A_38 : vector<512xf32>
    %mul3A_40 = arith.constant 128 : i32
    %mul3A_41 = vector.broadcast %mul3A_40 : i32 to vector<512xi32>
    %mul3A_42 = arith.muli %reduce_min3A_16, %mul3A_41 : vector<512xi32>
    %convert_element_type3A_43 = arith.fptosi %add3A : vector<512xf32> to vector<512xi32>
    %add3A_44 = arith.addi %mul3A_42, %convert_element_type3A_43 : vector<512xi32>
    %jit3A_45 = arith.constant 8192 : i32
    %broadcast_in_dim3A_46 = vector.broadcast %jit3A_45 : i32 to vector<512xi32>
    %select_n3A_47 = arith.select %lt3A_39, %add3A_44, %broadcast_in_dim3A_46 : vector<512xi1>, vector<512xi32>
    %get3A_48 = arith.constant 0 : index
    %get3A_49 = arith.constant 0 : index
    %get3A_50 = vector.load %arg5[%get3A_48, %get3A_49] : memref<64x1xf32, #tpu.memory_space<vmem>>, vector<64x1xf32>
    %reduce_sum3A_51 = arith.constant dense<0.000000e+00> : vector<64xf32>
    %reduce_sum3A_52 = vector.multi_reduction <add>, %convert_element_type3A_21, %reduce_sum3A_51 [1] : vector<64x512xf32> to vector<64xf32>
    %broadcast_in_dim3A_53 = vector.shape_cast %reduce_sum3A_52 : vector<64xf32> to vector<64x1xf32>
    %add3A_54 = arith.addf %get3A_50, %broadcast_in_dim3A_53 : vector<64x1xf32>
    %swap3A = arith.constant 0 : index
    %swap3A_55 = arith.constant 0 : index
    %swap3A_56 = vector.load %arg5[%swap3A, %swap3A_55] : memref<64x1xf32, #tpu.memory_space<vmem>>, vector<64x1xf32>
    tpu.vector_store %arg5[%swap3A, %swap3A_55], %add3A_54 {strides = array<i32>} : memref<64x1xf32, #tpu.memory_space<vmem>>, vector<64x1xf32>,
    %swap3A_57 = arith.constant 0 : index
    %swap3A_58 = vector.load %arg3[%swap3A_57] : memref<512xi32, #tpu.memory_space<vmem>>, vector<512xi32>
    tpu.vector_store %arg3[%swap3A_57], %select_n3A_47 {strides = array<i32>} : memref<512xi32, #tpu.memory_space<vmem>>, vector<512xi32>,
    %swap3A_59 = arith.constant 0 : index
    %swap3A_60 = vector.load %arg4[%swap3A_59] : memref<512xf32, #tpu.memory_space<vmem>>, vector<512xf32>
    tpu.vector_store %arg4[%swap3A_59], %div3A_12 {strides = array<i32>} : memref<512xf32, #tpu.memory_space<vmem>>, vector<512xf32>,
    return
  }
  func.func @transform_0(%arg0: i32) -> (i32, i32) {
    %c0_i32 = arith.constant 0 : i32
    %c0_i32_0 = arith.constant 0 : i32
    return %arg0, %c0_i32 : i32, i32
  }
  func.func @transform_1(%arg0: i32) -> (i32, i32) {
    %c0_i32 = arith.constant 0 : i32
    %c0_i32_0 = arith.constant 0 : i32
    %c0_i32_1 = arith.constant 0 : i32
    return %c0_i32, %c0_i32_0 : i32, i32
  }
  func.func @transform_2(%arg0: i32) -> i32 {
    %c0_i32 = arith.constant 0 : i32
    return %arg0 : i32
  }
  func.func @transform_3(%arg0: i32) -> i32 {
    %c0_i32 = arith.constant 0 : i32
    return %arg0 : i32
  }
}

</mosaic_0001>

<sc_bundles>
// kernel: kernel.10.cloned.1.call-start
scs
__scs_entry_jumppad:
0x0: {  	(pc) =	sbr.rel $0x88, $3  }
0x1: {  	(tag) =	ssettag $0x0;
	lr =	simm.s32 $0x1  }
0x2: {  	[smem:$0x3F9D] =	sst lr;
	_ =	strace $0xD0000000  }
0x3: {  	_ = 	snop  }
0x4: {  	_ = 	snop  }
0x5: {  	_ = 	snop  }
0x6: {  	_ = 	snop  }
0x7: {  	_ = 	snop  }
__scs_overlays_trampoline_lowered:
0x8: {  	[smem:$0x3FAC] =	sst s0  }
0x9: {  	[smem:$0x3FAD] =	sst s1  }
0xa: {  	[smem:$0x3FAE] =	sst s2  }
0xb: {  	[smem:$0x3FAF] =	sst s3  }
0xc: {  	[smem:$0x3FB0] =	sst s4  }
0xd: {  	[smem:$0x3FB1] =	sst s5  }
0xe: {  	[smem:$0x3FB2] =	sst s6  }
0xf: {  	[smem:$0x3FB3] =	sst s7  }
0x10: {  	[smem:$0x3FB4] =	sst s8  }
0x11: {  	[smem:$0x3FB5] =	sst s9;
	s0 =	simm.s32 @!p0 $0x0  }
0x12: {  	s1 =	sld [smem:$0x3F9B];
	s0 =	simm.s32 @p0 $0x1  }
0x13: {  	[smem:$0x3FB6] =	sst s0;
	s0 =	simm.s32 @!p1 $0x0  }
0x14: {  	s2 =	sld [smem:$0x3F9A];
	s0 =	simm.s32 @p1 $0x1  }
0x15: {  	[smem:$0x3FB7] =	sst s0;
	s0 =	simm.s32 @!p2 $0x0  }
0x16: {  	s3 =	sld [smem:$0x3FDB];
	s0 =	simm.s32 @p2 $0x1  }
0x17: {  	s4 =	simm.s32 $0x1BF5;
	[smem:$0x3FB9] =	sst s0  }
0x18: {  	s0 =	sld [smem:$0x3F9C];
	_ =	swait.ge [sflag:s4], $0x0  }
0x19: {  	s7 =	sld [smem:$0x3F9D]  }
0x1a: {  	s8 =	sadd.s32 $0xFFFFE003, lr  }
0x1b: {  	s9 =	sadd.s32 $0xFFFFFEF7, lr;
	s5 =	simm.s32 $0xFFFFFFFF;
	p2 =	slt.u32 s8, $0xFFFFF086  }
0x1c: {  	p1 =	slt.u32 s9, $0xF7A;
	s5 =	simm.s32 @!p2 $0x0  }
0x1d: {  	s5 =	simm.s32 @p1 $0x1;
	p0 =	seq.s32 s7, s2  }
0x1e: {  	s7 =	smul.u32 @!p0 $0xF7A, s2;
	p2 =	seq.s32 @!p0 s5, $0x0  }
0x1f: {  	s9 =	smul.u32 $0xF7A, s1;
	s8 =	simm.s32 @!p0 $0x1BF5;
	p2 =	por !p2, p0  }
0x20: {  	[sflag:s8] =	ssyncset.s32 @!p0 $0xFFFFF086;
	s6 =	sadd.s32 @!p0 s3, s7;
	s7 =	simm.s32 @!p0 $0x108  }
0x21: {  	s3 =	sadd.s32 s3, s9;
	s6 =	sadd.s32 @!p0 $0x88, s6;
	s7 =	simm.s32 @p2 $0x1082  }
0x22: {  	[simem:s7], [sflag:s8] =	dma.local @!p0 [hbm:s6], $0xF7A  }
0x23: {  	s9 =	sor.u32 $0xD0000000, s2;
	s6 =	simm.s32 $0x108;
	_ =	swait.ge @!p0 [sflag:s8], $0x0  }
0x24: {  	s3 =	sadd.s32 $0x88, s3;
	s6 =	simm.s32 @!p1 $0x1082;
	[sflag:s4] =	ssyncset.s32 $0xFFFFF086  }
0x25: {  	[simem:s6], [sflag:s4] =	dma.local [hbm:s3], $0xF7A  }
0x26: {  	[smem:$0x3F9D] =	sst s1;
	(tag) =	ssettag s2;
	_ =	strace s9  }
0x27: {  	s1 =	sld [smem:$0x3FAD]  }
0x28: {  	s2 =	sld [smem:$0x3FAE]  }
0x29: {  	s4 =	sld [smem:$0x3FB0]  }
0x2a: {  	p0 =	seq.s32 s5, $0x0;
	s5 =	sld [smem:$0x3FB1]  }
0x2b: {  	s6 =	sld [smem:$0x3FB2]  }
0x2c: {  	s7 =	sld [smem:$0x3FB3]  }
0x2d: {  	s3 =	simm.s32 $0x108;
	s8 =	sld [smem:$0x3FB4]  }
0x2e: {  	s3 =	simm.s32 @!p0 $0x1082;
	s9 =	sld [smem:$0x3FB5]  }
0x2f: {  	lr =	sadd.s32 s0, s3;
	s0 =	sld [smem:$0x3FAC]  }
0x30: {  	s3 =	sld [smem:$0x3FAF]  }
0x31: {  	[smem:$0x3FB8] =	sst s10  }
0x32: {  	s10 =	sld [smem:$0x3FB6];
	_ =	sdelay $0x3  }
0x33: {  	p0 =	seq.s32 s10, $0x1;
	s10 =	sld [smem:$0x3FB8];
	_ =	sdelay $0x3  }
0x34: {  	[smem:$0x3FB8] =	sst s10  }
0x35: {  	s10 =	sld [smem:$0x3FB7];
	_ =	sdelay $0x3  }
0x36: {  	p1 =	seq.s32 s10, $0x1;
	s10 =	sld [smem:$0x3FB8];
	_ =	sdelay $0x3  }
0x37: {  	[smem:$0x3FB8] =	sst s10  }
0x38: {  	s10 =	sld [smem:$0x3FB9]  }
0x39: {  	_ = 	snop;
	(pc) =	sbr.ind lr, $3  }
0x3a: {  	_ = 	snop  }
0x3b: {  	_ = 	snop  }
0x3c: {  	p2 =	seq.s32 s10, $0x1;
	s10 =	sld [smem:$0x3FB8]  }
0x3d: {  	_ =	shalt  }
0x3e: {  	_ =	shalt  }
0x3f: {  	_ =	shalt  }
0x40: {  	_ =	shalt  }
0x41: {  	_ =	shalt  }
0x42: {  	_ =	shalt  }
0x43: {  	_ =	shalt  }
0x44: {  	_ =	shalt  }
0x45: {  	_ =	shalt  }
0x46: {  	_ =	shalt  }
0x47: {  	_ =	shalt  }
0x48: {  	_ =	shalt  }
0x49: {  	_ =	shalt  }
0x4a: {  	_ =	shalt  }
0x4b: {  	_ =	shalt  }
0x4c: {  	_ =	shalt  }
0x4d: {  	_ =	shalt  }
0x4e: {  	_ =	shalt  }
0x4f: {  	_ =	shalt  }
0x50: {  	_ =	shalt  }
0x51: {  	_ =	shalt  }
0x52: {  	_ =	shalt  }
0x53: {  	_ =	shalt  }
0x54: {  	_ =	shalt  }
0x55: {  	_ =	shalt  }
0x56: {  	_ =	shalt  }
0x57: {  	_ =	shalt  }
0x58: {  	_ =	shalt  }
0x59: {  	_ =	shalt  }
0x5a: {  	_ =	shalt  }
0x5b: {  	_ =	shalt  }
0x5c: {  	_ =	shalt  }
0x5d: {  	_ =	shalt  }
0x5e: {  	_ =	shalt  }
0x5f: {  	_ =	shalt  }
0x60: {  	_ =	shalt  }
0x61: {  	_ =	shalt  }
0x62: {  	_ =	shalt  }
0x63: {  	_ =	shalt  }
0x64: {  	_ =	shalt  }
0x65: {  	_ =	shalt  }
0x66: {  	_ =	shalt  }
0x67: {  	_ =	shalt  }
0x68: {  	_ =	shalt  }
0x69: {  	_ =	shalt  }
0x6a: {  	_ =	shalt  }
0x6b: {  	_ =	shalt  }
0x6c: {  	_ =	shalt  }
0x6d: {  	_ =	shalt  }
0x6e: {  	_ =	shalt  }
0x6f: {  	_ =	shalt  }
0x70: {  	_ =	shalt  }
0x71: {  	_ =	shalt  }
0x72: {  	_ =	shalt  }
0x73: {  	_ =	shalt  }
0x74: {  	_ =	shalt  }
0x75: {  	_ =	shalt  }
0x76: {  	_ =	shalt  }
0x77: {  	_ =	shalt  }
0x78: {  	_ =	shalt  }
0x79: {  	_ =	shalt  }
0x7a: {  	_ =	shalt  }
0x7b: {  	_ =	shalt  }
0x7c: {  	_ =	shalt  }
0x7d: {  	_ =	shalt  }
0x7e: {  	_ =	shalt  }
0x7f: {  	_ =	shalt  }
0x80: {  	_ =	shalt  }
0x81: {  	_ =	shalt  }
0x82: {  	_ =	shalt  }
0x83: {  	_ =	shalt  }
0x84: {  	_ =	shalt  }
0x85: {  	_ =	shalt  }
0x86: {  	_ =	shalt  }
0x87: {  	_ =	shalt  }
.Lfunc_end0:
.L_simem_size_0:
called_computation.1_lowered:
.L_overlay_start_0:
0x88: {  	s2 =	sld [smem:$0x3FD9]  }
0x89: {  	s3 =	sld [smem:$0x3FFE];
	_ =	sdelay $0x1  }
0x8a: {  	s1 =	srdreg.scid  }
0x8b: {  	s0 =	sand.u32 $0x1, s1  }
0x8c: {  	s17 =	sshll.u32 s0, $0xA;
	s2 =	sadd.s32 s3, s2  }
0x8d: {  	s2 =	sadd.s32 s2, s17  }
0x8e: {  	[smem:$0x3FC4] =	sst s2  }
0x8f: {  	_ = 	snop  }
0x90: {  	s2 =	sld [smem:$0x3FC9]  }
0x91: {  	s18 =	sld [smem:$0x3FD0];
	(tm) =	ssettm $0x1  }
0x92: {  	s4 =	sld [smem:$0x3FFB];
	_ =	sdelay $0x3  }
0x93: {  	_ =	strace s4  }
0x94: {  	s4 =	sld [smem:$0x3FFC];
	_ =	sdelay $0x3  }
0x95: {  	_ =	strace s4  }
0x96: {  	s4 =	sld [smem:$0x3FFD];
	_ =	sdelay $0x3  }
0x97: {  	_ =	strace s4  }
0x98: {  	_ =	strace $0x8FFFFFFF  }
0x99: {  	s19 =	sld [smem:$0x3FDB];
	_ =	sdelay $0x1  }
0x9a: {  	s5 =	simm.s32 $_scs_section_size  }
0x9b: {  	s6 =	simm.s32 $_size__tile_overlayer_lowered;
	s7 =	simm.s32 $_tile_overlayer_lowered  }
0x9c: {  	s22 =	simm.s32 $0x1BFF;
	s21 =	sshll.u32 s7, $0x1;
	s4 =	sadd.s32 s5, s19  }
0x9d: {  	s8 =	simm.s32 $0x0;
	s20 =	sshll.u32 s6, $0x1;
	s6 =	sadd.s32 s21, s4  }
0x9e: {  	[timem:s8], [sflag:s22] =	dma.local [hbm:s6], s20  }
0x9f: {  	_ =	swait.ge [sflag:s22], s20  }
0xa0: {  	s5 =	ssub.s32 $0x0, s20;
	[sflag:s22] =	ssyncset.done $0x0  }
0xa1: {  	[sflag:s22] =	ssyncadd.s32 s5;
	_ =	sdelay $0x1  }
0xa2: {  	s23 =	simm.s32 $0x1B8B  }
0xa3: {  	_ =	swait.ge [sflag:s23], $0x1  }
0xa4: {  	[sflag:s23] =	ssyncset.done $0x0  }
0xa5: {  	s25 =	simm.s32 $0x1B8E;
	s24 =	sld [smem:$0x3FFE];
	[sflag:s23] =	ssyncadd.s32 $0xFFFFFFFF  }
0xa6: {  	s26 =	simm.s32 $execute0_lowered;
	[smem:$0x3FD2] =	sst s25  }
0xa7: {  	s6 =	sshll.u32 s26, $0x1;
	_ =	strace $0x80000049;
	[dreg:$0x1] =	wrdreg $0xFFFFFFFF  }
0xa8: {  	s28 =	simm.s32 $_size_execute0_lowered;
	s4 =	sadd.s32 s4, s6;
	[dreg:$0x0] =	wrdreg $0x0  }
0xa9: {  	s6 =	sshll.u32 s28, $0x1;
	[dreg:$0x2] =	wrdreg s4  }
0xaa: {  	[dreg:$0x3] =	wrdreg s6  }
0xab: {  	[dreg:$0x4] =	wrdreg $0xC0  }
0xac: {  	_ =	task [dreg:s8], $0x5FFFF  }
0xad: {  	[dreg:$0x1] =	wrdreg $0xFFFFFFFF  }
0xae: {  	[dreg:$0x0] =	wrdreg $0x60  }
0xaf: {  	[dreg:$0x2] =	wrdreg s18  }
0xb0: {  	[dreg:$0x3] =	wrdreg s2  }
0xb1: {  	[dreg:$0x4] =	wrdreg s24  }
0xb2: {  	[dreg:$0x5] =	wrdreg $0x9  }
0xb3: {  	_ =	task.clear_ibuf [dreg:s8], $0x6FFFF;
	_ =	strace $0x90000049  }
0xb4: {  	s29 =	simm.s32 $0x9;
	_ =	strace $0x8000004B  }
0xb5: {  	_ =	swait.ge [sflag:s29], $0x1  }
0xb6: {  	[sflag:s29] =	ssyncadd.s32 $0xFFFFFFFF  }
0xb7: {  	_ =	strace $0x9000004B  }
0xb8: {  	_ =	sfence  }
0xb9: {  	s30 =	sld [smem:$0x0];
	_ =	sdelay $0x2  }
0xba: {  	s31 =	sshll.u32 s1, $0xD;
	s1 =	sshrl.u32 s1, $0x2  }
0xbb: {  	s3 =	sand.u32 $0x4000, s31;
	s1 =	sadd.s32 s1, s30  }
0xbc: {  	s0 =	sor.u32 s3, s0;
	s1 =	sshll.u32 s1, $0x11  }
0xbd: {  	s0 =	sor.u32 s1, s0  }
0xbe: {  	s0 =	sadd.s32 $0x8F2B, s0  }
0xbf: {  	[sflag:s0] =	ssyncadd.remote.s32 $0x1  }
0xc0: {  	_ =	sfence.sel $0xFFFF  }
0xc1: {  	[dreg:$0x0] =	wrdreg $0xFFFFFFFF;
	(pc) =	sbr.abs _section_cstart, $3  }
0xc2: {  	[dreg:$0x1] =	wrdreg $0xFFFFFFFF  }
0xc3: {  	_ =	task.clear_ibuf [dreg:s8], $0x2FFFF;
	_ =	strace $0x9FFFFFFF  }
0xc4: {  	(tm) =	ssettm $0x7FFFFFFF  }
0xc5: {  	_ =	shalt  }
tec
execute0_lowered:
.L_overlay_start_1:
0x0: {  	(tag) =	ssettag $0x1  }
0x1: {  	s0 =	srdreg.scid  }
0x2: {  	s18 =	stileid.u32;
	s1 =	rddreg [dreg:$0x0]  }
0x3: {  	s2 =	rddreg [dreg:$0x1];
	s0 =	sand.u32 $0x1, s0;
	s3 =	sshll.u32 s18, $0x1  }
0x4: {  	s5 =	rddreg [dreg:$0x2];
	s30 =	simm.s32 $0x1080;
	s4 =	sor.u32 s0, s3  }
0x5: {  	s31 =	simm.s32 $0x1880;
	s15 =	sadd.s32 $0x2400, s5;
	s6 =	smul.u32 $0x6, s4  }
0x6: {  	s5 =	sadd.s32 $0x100, s2;
	s7 =	sor.u32 $0x20, s4;
	s9 =	smul.u32 $0x1800, s4  }
0x7: {  	p0 =	sgt.u32 s18, $0x7;
	s10 =	sor.u32 $0x40, s4;
	s8 =	smul.u32 $0x6, s7  }
0x8: {  	s18 =	simm.s32 $0x80;
	s3 =	simm.s32 $0x0;
	s11 =	smul.u32 $0x6, s10  }
0x9: {  	s0 =	ssub.s32 $0x2, s0;
	s14 =	sor.u32 $0x60, s4;
	s13 =	smul.u32 $0x1800, s7  }
0xa: {  	[smem:$0x7FF] =	sst s3;
	s12 =	sshrl.u32 s0, $0x1;
	s20 =	smul.u32 $0x6, s14  }
0xb: {  	s16 =	sor.u32 $0x80, s4;
	s4 =	sor.u32 $0xA0, s4;
	s10 =	smul.u32 $0x1800, s10  }
0xc: {  	_ =	strace $0x8000004A;
	s0 =	ssub.s32 s0, s12;
	s17 =	smul.u32 $0x6, s16  }
0xd: {  	s7 =	sadd.s32 $0x300, s2;
	s22 =	smul.u32 $0x1800, s14;
	s21 =	sadd.s32 s1, s6  }
0xe: {  	s23 =	smul.u32 $0x1800, s16;
	s9 =	sadd.s32 s15, s9;
	[dreg:$0x4] =	wrdreg s21  }
0xf: {  	s25 =	smul.u32 $0x6, s4;
	s8 =	sadd.s32 s1, s8;
	[dreg:$0x6] =	wrdreg s9  }
0x10: {  	s4 =	smul.u32 $0x1800, s4;
	s11 =	sadd.s32 s1, s11;
	[dreg:$0x5] =	wrdreg s8  }
0x11: {  	s6 =	sadd.s32 $0x200, s2;
	s24 =	sadd.s32 s15, s13;
	[dreg:$0x7] =	wrdreg s11  }
0x12: {  	s19 =	smax.u32 s0, $0x1;
	s12 =	sadd.s32 s1, s20;
	[dreg:$0x8] =	wrdreg s24  }
0x13: {  	s0 =	simm.s32 $0x80;
	s10 =	sadd.s32 s15, s10;
	[dreg:$0x9] =	wrdreg s12  }
0x14: {  	s26 =	sadd.s32 s1, s17;
	s28 =	sadd.s32 s15, s23;
	[dreg:$0xa] =	wrdreg s10  }
.Ltmp0:
0x15: {  	s1 =	sadd.s32 s1, s25;
	[dreg:$0xb] =	wrdreg s26;
	(pc) =	sbr.rel .LBB2_1-.Ltmp0, $4  }
0x16: {  	s29 =	sadd.s32 s15, s4;
	s20 =	simm.s32 $0x5;
	[dreg:$0xd] =	wrdreg s28  }
0x17: {  	v2 =	vlaneseq.u32;
	s23 =	simm.s32 $0x9880;
	s21 =	simm.s32 $0xA080;
	[dreg:$0xe] =	wrdreg s1  }
0x18: {  	vm0 =	vmmov $0xffff;
	v1 =	vshrl.u32 v2, $0x3;
	s8 =	sadd.s32 s15, s22;
	[dreg:$0xf] =	wrdreg s29;
	s22 =	simm.s32 $0x1  }
0x19: {  	v0 =	vand.u32 $0x7, v2;
	v2 =	vor.u32 $0x8, v2;
	v1 =	vmul.u32 $0x8, v1;
	s24 =	simm.s32 $0x2;
	s26 =	simm.s32 $0x9080;
	[dreg:$0xc] =	wrdreg s8  }
.LBB2_3:
0x1a: {  	s28 =	rddreg [dreg:$0xd]  }
0x1b: {  	[hbm4b:s28+s3] =	stream.linear.scatter [tilespmem:s18], [sflag:$0x3], $0xC000, $0x38;
	[tilespmem:$0x18080] =	vst v63  }
0x1c: {  	s29 =	simm.s32 $0x4;
	s0 =	simm.s32 $0x80;
	s28 =	simm.s32 $0x3  }
.LBB2_4:
0x1d: {  	s19 =	sadd.s32 $0xFFFFFFFF, s19  }
0x1e: {  	_ =	swait.ge [sflag:s28], $0xC000;
	p1 =	sne.s32 s19, $0x0  }
.Ltmp1:
0x1f: {  	[sflag:s28] =	ssyncset.done $0x0;
	(pc) =	sbr.rel @!p1 .LBB2_5-.Ltmp1, $4  }
0x20: {  	[sflag:s28] =	ssyncadd.s32 $0xFFFF4000  }
0x21: {  	_ =	swait.ge [sflag:s29], $0xC000  }
0x22: {  	[sflag:s29] =	ssyncset.done $0x0  }
0x23: {  	[sflag:s29] =	ssyncadd.s32 $0xFFFF4000  }
.LBB2_1:
0x24: {  	s28 =	rddreg [dreg:$0x4]  }
0x25: {  	[tilespmem:s3], [sflag:$0x5] =	stream.linear.gather [hbm4b:s28+s3], $0x30, $0x38;
	[tilespmem:$0x18080] =	vst v63  }
0x26: {  	_ =	swait.ge [sflag:s20], $0x30  }
0x27: {  	[sflag:s20] =	ssyncset.done $0x0  }
0x28: {  	[sflag:s20] =	ssyncadd.s32 $0xFFFFFFD0  }
0x29: {  	v3 =	vld [tilespmem:$0x0];
	_ =	sdelay $0x4  }
0x2a: {  	v4 =	vshll.u32 v3, $0x3  }
0x2b: {  	v3 =	vand.u32 $0x7, v3;
	v4 =	vand.u32 $0xFFFFFFC0, v4  }
0x2c: {  	v3 =	vor.u32 v3, v4  }
0x2d: {  	v4 =	vperm.xlane v3, v0;
	_ =	sdelay $0x1  }
0x2e: {  	v4 =	vadd.s32 v1, v4;
	_ =	sdelay $0x4  }
0x2f: {  	[tilespmem:s0], [sflag:$0x1] =	stream.indirect_vreg.gather [hbm4b:s2+s3], $0x80, v4, vm0, $0xb8;
	[tilespmem:$0x18080] =	vst v63  }
0x30: {  	s29 =	simm.s32 $0x880;
	v3 =	vperm.xlane v3, v2  }
0x31: {  	[tilespmem:s29], [sflag:$0x1] =	stream.indirect_vreg.gather [hbm4b:s5+s3], $0x80, v4, vm0, $0xb8;
	[tilespmem:$0x18080] =	vst v63  }
0x32: {  	v3 =	vadd.s32 v1, v3  }
0x33: {  	[tilespmem:s30], [sflag:$0x1] =	stream.indirect_vreg.gather [hbm4b:s6+s3], $0x80, v4, vm0, $0xb8;
	[tilespmem:$0x18080] =	vst v63  }
0x34: {  	_ = 	snop  }
0x35: {  	[tilespmem:s31], [sflag:$0x1] =	stream.indirect_vreg.gather [hbm4b:s7+s3], $0x80, v4, vm0, $0xb8;
	[tilespmem:$0x18080] =	vst v63  }
0x36: {  	s28 =	simm.s32 $0x2080  }
0x37: {  	[tilespmem:s28], [sflag:$0x1] =	stream.indirect_vreg.gather [hbm4b:s2+s3], $0x80, v3, vm0, $0xb8;
	[tilespmem:$0x18080] =	vst v63  }
0x38: {  	s1 =	simm.s32 $0x2880  }
0x39: {  	[tilespmem:s1], [sflag:$0x1] =	stream.indirect_vreg.gather [hbm4b:s5+s3], $0x80, v3, vm0, $0xb8;
	[tilespmem:$0x18080] =	vst v63  }
0x3a: {  	s4 =	simm.s32 $0x3080  }
0x3b: {  	[tilespmem:s4], [sflag:$0x1] =	stream.indirect_vreg.gather [hbm4b:s6+s3], $0x80, v3, vm0, $0xb8;
	[tilespmem:$0x18080] =	vst v63  }
0x3c: {  	s8 =	simm.s32 $0x3880  }
0x3d: {  	[tilespmem:s8], [sflag:$0x1] =	stream.indirect_vreg.gather [hbm4b:s7+s3], $0x80, v3, vm0, $0xb8;
	[tilespmem:$0x18080] =	vst v63  }
0x3e: {  	v3 =	vld [tilespmem:$0x10];
	_ =	sdelay $0x4  }
0x3f: {  	v50 =	vshll.u32 v3, $0x3  }
0x40: {  	v3 =	vand.u32 $0x7, v3;
	v4 =	vand.u32 $0xFFFFFFC0, v50  }
0x41: {  	v3 =	vor.u32 v3, v4  }
0x42: {  	v4 =	vperm.xlane v3, v0;
	_ =	sdelay $0x1  }
0x43: {  	v4 =	vadd.s32 v1, v4;
	_ =	sdelay $0x3  }
0x44: {  	s9 =	simm.s32 $0x4080  }
0x45: {  	[tilespmem:s9], [sflag:$0x1] =	stream.indirect_vreg.gather [hbm4b:s2+s3], $0x80, v4, vm0, $0xb8;
	[tilespmem:$0x18080] =	vst v63  }
0x46: {  	s10 =	simm.s32 $0x4880;
	v3 =	vperm.xlane v3, v2  }
0x47: {  	[tilespmem:s10], [sflag:$0x1] =	stream.indirect_vreg.gather [hbm4b:s5+s3], $0x80, v4, vm0, $0xb8;
	[tilespmem:$0x18080] =	vst v63  }
0x48: {  	s11 =	simm.s32 $0x5080;
	v3 =	vadd.s32 v1, v3  }
0x49: {  	[tilespmem:s11], [sflag:$0x1] =	stream.indirect_vreg.gather [hbm4b:s6+s3], $0x80, v4, vm0, $0xb8;
	[tilespmem:$0x18080] =	vst v63  }
0x4a: {  	s12 =	simm.s32 $0x5880  }
0x4b: {  	[tilespmem:s12], [sflag:$0x1] =	stream.indirect_vreg.gather [hbm4b:s7+s3], $0x80, v4, vm0, $0xb8;
	[tilespmem:$0x18080] =	vst v63  }
0x4c: {  	s13 =	simm.s32 $0x6080  }
0x4d: {  	[tilespmem:s13], [sflag:$0x1] =	stream.indirect_vreg.gather [hbm4b:s2+s3], $0x80, v3, vm0, $0xb8;
	[tilespmem:$0x18080] =	vst v63  }
0x4e: {  	s14 =	simm.s32 $0x6880  }
0x4f: {  	[tilespmem:s14], [sflag:$0x1] =	stream.indirect_vreg.gather [hbm4b:s5+s3], $0x80, v3, vm0, $0xb8;
	[tilespmem:$0x18080] =	vst v63  }
0x50: {  	s15 =	simm.s32 $0x7080  }
0x51: {  	[tilespmem:s15], [sflag:$0x1] =	stream.indirect_vreg.gather [hbm4b:s6+s3], $0x80, v3, vm0, $0xb8;
	[tilespmem:$0x18080] =	vst v63  }
0x52: {  	s16 =	simm.s32 $0x7880  }
0x53: {  	[tilespmem:s16], [sflag:$0x1] =	stream.indirect_vreg.gather [hbm4b:s7+s3], $0x80, v3, vm0, $0xb8;
	[tilespmem:$0x18080] =	vst v63  }
0x54: {  	v3 =	vld [tilespmem:$0x20];
	_ =	sdelay $0x4  }
0x55: {  	v51 =	vshll.u32 v3, $0x3  }
0x56: {  	v3 =	vand.u32 $0x7, v3;
	v4 =	vand.u32 $0xFFFFFFC0, v51  }
0x57: {  	v3 =	vor.u32 v3, v4  }
0x58: {  	v4 =	vperm.xlane v3, v0;
	_ =	sdelay $0x1  }
0x59: {  	v4 =	vadd.s32 v1, v4;
	_ =	sdelay $0x3  }
0x5a: {  	s17 =	simm.s32 $0x8080  }
0x5b: {  	[tilespmem:s17], [sflag:$0x1] =	stream.indirect_vreg.gather [hbm4b:s2+s3], $0x80, v4, vm0, $0xb8;
	[tilespmem:$0x18080] =	vst v63  }
0x5c: {  	s25 =	simm.s32 $0x8880;
	v3 =	vperm.xlane v3, v2  }
0x5d: {  	[tilespmem:s25], [sflag:$0x1] =	stream.indirect_vreg.gather [hbm4b:s5+s3], $0x80, v4, vm0, $0xb8;
	[tilespmem:$0x18080] =	vst v63  }
0x5e: {  	v3 =	vadd.s32 v1, v3  }
0x5f: {  	[tilespmem:s26], [sflag:$0x1] =	stream.indirect_vreg.gather [hbm4b:s6+s3], $0x80, v4, vm0, $0xb8;
	[tilespmem:$0x18080] =	vst v63  }
0x60: {  	_ = 	snop  }
0x61: {  	[tilespmem:s23], [sflag:$0x1] =	stream.indirect_vreg.gather [hbm4b:s7+s3], $0x80, v4, vm0, $0xb8;
	[tilespmem:$0x18080] =	vst v63  }
0x62: {  	_ = 	snop  }
0x63: {  	[tilespmem:s21], [sflag:$0x1] =	stream.indirect_vreg.gather [hbm4b:s2+s3], $0x80, v3, vm0, $0xb8;
	[tilespmem:$0x18080] =	vst v63  }
0x64: {  	s28 =	simm.s32 $0xA880  }
0x65: {  	[tilespmem:s28], [sflag:$0x1] =	stream.indirect_vreg.gather [hbm4b:s5+s3], $0x80, v3, vm0, $0xb8;
	[tilespmem:$0x18080] =	vst v63  }
0x66: {  	s1 =	simm.s32 $0xB080  }
0x67: {  	[tilespmem:s1], [sflag:$0x1] =	stream.indirect_vreg.gather [hbm4b:s6+s3], $0x80, v3, vm0, $0xb8;
	[tilespmem:$0x18080] =	vst v63  }
0x68: {  	s4 =	simm.s32 $0xB880  }
0x69: {  	[tilespmem:s4], [sflag:$0x1] =	stream.indirect_vreg.gather [hbm4b:s7+s3], $0x80, v3, vm0, $0xb8;
	[tilespmem:$0x18080] =	vst v63  }
0x6a: {  	_ =	swait.ge [sflag:s22], $0xC000  }
0x6b: {  	[sflag:s22] =	ssyncset.done $0x0  }
0x6c: {  	s8 =	rddreg [dreg:$0x5];
	[sflag:s22] =	ssyncadd.s32 $0xFFFF4000  }
0x6d: {  	[tilespmem:s3], [sflag:$0x5] =	stream.linear.gather [hbm4b:s8+s3], $0x30, $0x38;
	[tilespmem:$0x18080] =	vst v63  }
0x6e: {  	_ =	swait.ge [sflag:s20], $0x30  }
0x6f: {  	[sflag:s20] =	ssyncset.done $0x0  }
0x70: {  	[sflag:s20] =	ssyncadd.s32 $0xFFFFFFD0  }
0x71: {  	v3 =	vld [tilespmem:$0x0];
	_ =	sdelay $0x4  }
0x72: {  	v52 =	vshll.u32 v3, $0x3  }
0x73: {  	v3 =	vand.u32 $0x7, v3;
	v4 =	vand.u32 $0xFFFFFFC0, v52  }
0x74: {  	v3 =	vor.u32 v3, v4  }
0x75: {  	v4 =	vperm.xlane v3, v0;
	_ =	sdelay $0x1  }
0x76: {  	v4 =	vadd.s32 v1, v4;
	_ =	sdelay $0x3  }
0x77: {  	s0 =	simm.s32 $0xC080  }
0x78: {  	[tilespmem:s0], [sflag:$0x2] =	stream.indirect_vreg.gather [hbm4b:s2+s3], $0x80, v4, vm0, $0xb8;
	[tilespmem:$0x18080] =	vst v63  }
0x79: {  	s1 =	simm.s32 $0xC880;
	v3 =	vperm.xlane v3, v2  }
0x7a: {  	[tilespmem:s1], [sflag:$0x2] =	stream.indirect_vreg.gather [hbm4b:s5+s3], $0x80, v4, vm0, $0xb8;
	[tilespmem:$0x18080] =	vst v63  }
0x7b: {  	s4 =	simm.s32 $0xD080;
	v3 =	vadd.s32 v1, v3  }
0x7c: {  	[tilespmem:s4], [sflag:$0x2] =	stream.indirect_vreg.gather [hbm4b:s6+s3], $0x80, v4, vm0, $0xb8;
	[tilespmem:$0x18080] =	vst v63  }
0x7d: {  	s25 =	simm.s32 $0xD880  }
0x7e: {  	[tilespmem:s25], [sflag:$0x2] =	stream.indirect_vreg.gather [hbm4b:s7+s3], $0x80, v4, vm0, $0xb8;
	[tilespmem:$0x18080] =	vst v63  }
0x7f: {  	s8 =	simm.s32 $0xE080  }
0x80: {  	[tilespmem:s8], [sflag:$0x2] =	stream.indirect_vreg.gather [hbm4b:s2+s3], $0x80, v3, vm0, $0xb8;
	[tilespmem:$0x18080] =	vst v63  }
0x81: {  	s9 =	simm.s32 $0xE880  }
0x82: {  	[tilespmem:s9], [sflag:$0x2] =	stream.indirect_vreg.gather [hbm4b:s5+s3], $0x80, v3, vm0, $0xb8;
	[tilespmem:$0x18080] =	vst v63  }
0x83: {  	s9 =	simm.s32 $0xF080  }
0x84: {  	[tilespmem:s9], [sflag:$0x2] =	stream.indirect_vreg.gather [hbm4b:s6+s3], $0x80, v3, vm0, $0xb8;
	[tilespmem:$0x18080] =	vst v63  }
0x85: {  	s10 =	simm.s32 $0xF880  }
0x86: {  	[tilespmem:s10], [sflag:$0x2] =	stream.indirect_vreg.gather [hbm4b:s7+s3], $0x80, v3, vm0, $0xb8;
	[tilespmem:$0x18080] =	vst v63  }
0x87: {  	v3 =	vld [tilespmem:$0x10];
	_ =	sdelay $0x4  }
0x88: {  	v53 =	vshll.u32 v3, $0x3  }
0x89: {  	v3 =	vand.u32 $0x7, v3;
	v4 =	vand.u32 $0xFFFFFFC0, v53  }
0x8a: {  	v3 =	vor.u32 v3, v4  }
0x8b: {  	v4 =	vperm.xlane v3, v0;
	_ =	sdelay $0x1  }
0x8c: {  	v4 =	vadd.s32 v1, v4;
	_ =	sdelay $0x3  }
0x8d: {  	s10 =	simm.s32 $0x10080  }
0x8e: {  	[tilespmem:s10], [sflag:$0x2] =	stream.indirect_vreg.gather [hbm4b:s2+s3], $0x80, v4, vm0, $0xb8;
	[tilespmem:$0x18080] =	vst v63  }
0x8f: {  	s11 =	simm.s32 $0x10880;
	v3 =	vperm.xlane v3, v2  }
0x90: {  	[tilespmem:s11], [sflag:$0x2] =	stream.indirect_vreg.gather [hbm4b:s5+s3], $0x80, v4, vm0, $0xb8;
	[tilespmem:$0x18080] =	vst v63  }
0x91: {  	v3 =	vadd.s32 v1, v3;
	s11 =	simm.s32 $0x11080  }
0x92: {  	[tilespmem:s11], [sflag:$0x2] =	stream.indirect_vreg.gather [hbm4b:s6+s3], $0x80, v4, vm0, $0xb8;
	[tilespmem:$0x18080] =	vst v63  }
0x93: {  	s12 =	simm.s32 $0x11880  }
0x94: {  	[tilespmem:s12], [sflag:$0x2] =	stream.indirect_vreg.gather [hbm4b:s7+s3], $0x80, v4, vm0, $0xb8;
	[tilespmem:$0x18080] =	vst v63  }
0x95: {  	s12 =	simm.s32 $0x12080  }
0x96: {  	[tilespmem:s12], [sflag:$0x2] =	stream.indirect_vreg.gather [hbm4b:s2+s3], $0x80, v3, vm0, $0xb8;
	[tilespmem:$0x18080] =	vst v63  }
0x97: {  	s13 =	simm.s32 $0x12880  }
0x98: {  	[tilespmem:s13], [sflag:$0x2] =	stream.indirect_vreg.gather [hbm4b:s5+s3], $0x80, v3, vm0, $0xb8;
	[tilespmem:$0x18080] =	vst v63  }
0x99: {  	s13 =	simm.s32 $0x13080  }
0x9a: {  	[tilespmem:s13], [sflag:$0x2] =	stream.indirect_vreg.gather [hbm4b:s6+s3], $0x80, v3, vm0, $0xb8;
	[tilespmem:$0x18080] =	vst v63  }
0x9b: {  	s14 =	simm.s32 $0x13880  }
0x9c: {  	[tilespmem:s14], [sflag:$0x2] =	stream.indirect_vreg.gather [hbm4b:s7+s3], $0x80, v3, vm0, $0xb8;
	[tilespmem:$0x18080] =	vst v63  }
0x9d: {  	v3 =	vld [tilespmem:$0x20];
	_ =	sdelay $0x4  }
0x9e: {  	v54 =	vshll.u32 v3, $0x3  }
0x9f: {  	v3 =	vand.u32 $0x7, v3;
	v4 =	vand.u32 $0xFFFFFFC0, v54  }
0xa0: {  	v3 =	vor.u32 v3, v4  }
0xa1: {  	v4 =	vperm.xlane v3, v0;
	_ =	sdelay $0x1  }
0xa2: {  	v4 =	vadd.s32 v1, v4;
	_ =	sdelay $0x3  }
0xa3: {  	s14 =	simm.s32 $0x14080  }
0xa4: {  	[tilespmem:s14], [sflag:$0x2] =	stream.indirect_vreg.gather [hbm4b:s2+s3], $0x80, v4, vm0, $0xb8;
	[tilespmem:$0x18080] =	vst v63  }
0xa5: {  	s15 =	simm.s32 $0x14880;
	v3 =	vperm.xlane v3, v2  }
0xa6: {  	[tilespmem:s15], [sflag:$0x2] =	stream.indirect_vreg.gather [hbm4b:s5+s3], $0x80, v4, vm0, $0xb8;
	[tilespmem:$0x18080] =	vst v63  }
0xa7: {  	v3 =	vadd.s32 v1, v3;
	s15 =	simm.s32 $0x15080  }
0xa8: {  	[tilespmem:s15], [sflag:$0x2] =	stream.indirect_vreg.gather [hbm4b:s6+s3], $0x80, v4, vm0, $0xb8;
	[tilespmem:$0x18080] =	vst v63  }
0xa9: {  	s16 =	simm.s32 $0x15880  }
0xaa: {  	[tilespmem:s16], [sflag:$0x2] =	stream.indirect_vreg.gather [hbm4b:s7+s3], $0x80, v4, vm0, $0xb8;
	[tilespmem:$0x18080] =	vst v63  }
0xab: {  	s16 =	simm.s32 $0x16080  }
0xac: {  	[tilespmem:s16], [sflag:$0x2] =	stream.indirect_vreg.gather [hbm4b:s2+s3], $0x80, v3, vm0, $0xb8;
	[tilespmem:$0x18080] =	vst v63  }
0xad: {  	s17 =	simm.s32 $0x16880  }
0xae: {  	[tilespmem:s17], [sflag:$0x2] =	stream.indirect_vreg.gather [hbm4b:s5+s3], $0x80, v3, vm0, $0xb8;
	[tilespmem:$0x18080] =	vst v63  }
0xaf: {  	s17 =	simm.s32 $0x17080  }
0xb0: {  	[tilespmem:s17], [sflag:$0x2] =	stream.indirect_vreg.gather [hbm4b:s6+s3], $0x80, v3, vm0, $0xb8;
	[tilespmem:$0x18080] =	vst v63  }
0xb1: {  	s28 =	simm.s32 $0x17880  }
0xb2: {  	[tilespmem:s28], [sflag:$0x2] =	stream.indirect_vreg.gather [hbm4b:s7+s3], $0x80, v3, vm0, $0xb8;
	[tilespmem:$0x18080] =	vst v63  }
0xb3: {  	s25 =	rddreg [dreg:$0x6]  }
0xb4: {  	[hbm4b:s25+s3] =	stream.linear.scatter [tilespmem:s18], [sflag:$0x3], $0xC000, $0x38;
	[tilespmem:$0x18080] =	vst v63  }
0xb5: {  	_ =	swait.ge [sflag:s24], $0xC000  }
0xb6: {  	[sflag:s24] =	ssyncset.done $0x0  }
0xb7: {  	s25 =	simm.s32 $0x3;
	[sflag:s24] =	ssyncadd.s32 $0xFFFF4000  }
0xb8: {  	_ =	swait.ge [sflag:s25], $0xC000  }
0xb9: {  	[sflag:s25] =	ssyncset.done $0x0  }
0xba: {  	s28 =	rddreg [dreg:$0x7];
	[sflag:s25] =	ssyncadd.s32 $0xFFFF4000  }
0xbb: {  	[tilespmem:s3], [sflag:$0x5] =	stream.linear.gather [hbm4b:s28+s3], $0x30, $0x38;
	[tilespmem:$0x18080] =	vst v63  }
0xbc: {  	_ =	swait.ge [sflag:s20], $0x30  }
0xbd: {  	[sflag:s20] =	ssyncset.done $0x0  }
0xbe: {  	[sflag:s20] =	ssyncadd.s32 $0xFFFFFFD0  }
0xbf: {  	v3 =	vld [tilespmem:$0x0];
	_ =	sdelay $0x4  }
0xc0: {  	v55 =	vshll.u32 v3, $0x3  }
0xc1: {  	v3 =	vand.u32 $0x7, v3;
	v4 =	vand.u32 $0xFFFFFFC0, v55  }
0xc2: {  	v3 =	vor.u32 v3, v4  }
0xc3: {  	v4 =	vperm.xlane v3, v0;
	_ =	sdelay $0x1  }
0xc4: {  	v4 =	vadd.s32 v1, v4;
	_ =	sdelay $0x4  }
0xc5: {  	[tilespmem:s18], [sflag:$0x1] =	stream.indirect_vreg.gather [hbm4b:s2+s3], $0x80, v4, vm0, $0xb8;
	[tilespmem:$0x18080] =	vst v63  }
0xc6: {  	v3 =	vperm.xlane v3, v2  }
0xc7: {  	[tilespmem:s29], [sflag:$0x1] =	stream.indirect_vreg.gather [hbm4b:s5+s3], $0x80, v4, vm0, $0xb8;
	[tilespmem:$0x18080] =	vst v63  }
0xc8: {  	v3 =	vadd.s32 v1, v3  }
0xc9: {  	[tilespmem:s30], [sflag:$0x1] =	stream.indirect_vreg.gather [hbm4b:s6+s3], $0x80, v4, vm0, $0xb8;
	[tilespmem:$0x18080] =	vst v63  }
0xca: {  	_ = 	snop  }
0xcb: {  	[tilespmem:s31], [sflag:$0x1] =	stream.indirect_vreg.gather [hbm4b:s7+s3], $0x80, v4, vm0, $0xb8;
	[tilespmem:$0x18080] =	vst v63  }
0xcc: {  	s28 =	simm.s32 $0x2080  }
0xcd: {  	[tilespmem:s28], [sflag:$0x1] =	stream.indirect_vreg.gather [hbm4b:s2+s3], $0x80, v3, vm0, $0xb8;
	[tilespmem:$0x18080] =	vst v63  }
0xce: {  	s28 =	simm.s32 $0x2880  }
0xcf: {  	[tilespmem:s28], [sflag:$0x1] =	stream.indirect_vreg.gather [hbm4b:s5+s3], $0x80, v3, vm0, $0xb8;
	[tilespmem:$0x18080] =	vst v63  }
0xd0: {  	s28 =	simm.s32 $0x3080  }
0xd1: {  	[tilespmem:s28], [sflag:$0x1] =	stream.indirect_vreg.gather [hbm4b:s6+s3], $0x80, v3, vm0, $0xb8;
	[tilespmem:$0x18080] =	vst v63  }
0xd2: {  	s28 =	simm.s32 $0x3880  }
0xd3: {  	[tilespmem:s28], [sflag:$0x1] =	stream.indirect_vreg.gather [hbm4b:s7+s3], $0x80, v3, vm0, $0xb8;
	[tilespmem:$0x18080] =	vst v63  }
0xd4: {  	v3 =	vld [tilespmem:$0x10];
	_ =	sdelay $0x4  }
0xd5: {  	v56 =	vshll.u32 v3, $0x3  }
0xd6: {  	v3 =	vand.u32 $0x7, v3;
	v4 =	vand.u32 $0xFFFFFFC0, v56  }
0xd7: {  	v3 =	vor.u32 v3, v4  }
0xd8: {  	v4 =	vperm.xlane v3, v0;
	_ =	sdelay $0x1  }
0xd9: {  	v4 =	vadd.s32 v1, v4;
	_ =	sdelay $0x3  }
0xda: {  	s28 =	simm.s32 $0x4080  }
0xdb: {  	[tilespmem:s28], [sflag:$0x1] =	stream.indirect_vreg.gather [hbm4b:s2+s3], $0x80, v4, vm0, $0xb8;
	[tilespmem:$0x18080] =	vst v63  }
0xdc: {  	v3 =	vperm.xlane v3, v2;
	s28 =	simm.s32 $0x4880  }
0xdd: {  	[tilespmem:s28], [sflag:$0x1] =	stream.indirect_vreg.gather [hbm4b:s5+s3], $0x80, v4, vm0, $0xb8;
	[tilespmem:$0x18080] =	vst v63  }
0xde: {  	v3 =	vadd.s32 v1, v3;
	s28 =	simm.s32 $0x5080  }
0xdf: {  	[tilespmem:s28], [sflag:$0x1] =	stream.indirect_vreg.gather [hbm4b:s6+s3], $0x80, v4, vm0, $0xb8;
	[tilespmem:$0x18080] =	vst v63  }
0xe0: {  	s28 =	simm.s32 $0x5880  }
0xe1: {  	[tilespmem:s28], [sflag:$0x1] =	stream.indirect_vreg.gather [hbm4b:s7+s3], $0x80, v4, vm0, $0xb8;
	[tilespmem:$0x18080] =	vst v63  }
0xe2: {  	s28 =	simm.s32 $0x6080  }
0xe3: {  	[tilespmem:s28], [sflag:$0x1] =	stream.indirect_vreg.gather [hbm4b:s2+s3], $0x80, v3, vm0, $0xb8;
	[tilespmem:$0x18080] =	vst v63  }
0xe4: {  	s28 =	simm.s32 $0x6880  }
0xe5: {  	[tilespmem:s28], [sflag:$0x1] =	stream.indirect_vreg.gather [hbm4b:s5+s3], $0x80, v3, vm0, $0xb8;
	[tilespmem:$0x18080] =	vst v63  }
0xe6: {  	s28 =	simm.s32 $0x7080  }
0xe7: {  	[tilespmem:s28], [sflag:$0x1] =	stream.indirect_vreg.gather [hbm4b:s6+s3], $0x80, v3, vm0, $0xb8;
	[tilespmem:$0x18080] =	vst v63  }
0xe8: {  	s28 =	simm.s32 $0x7880  }
0xe9: {  	[tilespmem:s28], [sflag:$0x1] =	stream.indirect_vreg.gather [hbm4b:s7+s3], $0x80, v3, vm0, $0xb8;
	[tilespmem:$0x18080] =	vst v63  }
0xea: {  	v3 =	vld [tilespmem:$0x20];
	_ =	sdelay $0x4  }
0xeb: {  	v57 =	vshll.u32 v3, $0x3  }
0xec: {  	v3 =	vand.u32 $0x7, v3;
	v4 =	vand.u32 $0xFFFFFFC0, v57  }
0xed: {  	v3 =	vor.u32 v3, v4  }
0xee: {  	v4 =	vperm.xlane v3, v0;
	_ =	sdelay $0x1  }
0xef: {  	v4 =	vadd.s32 v1, v4;
	_ =	sdelay $0x3  }
0xf0: {  	s28 =	simm.s32 $0x8080  }
0xf1: {  	[tilespmem:s28], [sflag:$0x1] =	stream.indirect_vreg.gather [hbm4b:s2+s3], $0x80, v4, vm0, $0xb8;
	[tilespmem:$0x18080] =	vst v63  }
0xf2: {  	v3 =	vperm.xlane v3, v2;
	s28 =	simm.s32 $0x8880  }
0xf3: {  	[tilespmem:s28], [sflag:$0x1] =	stream.indirect_vreg.gather [hbm4b:s5+s3], $0x80, v4, vm0, $0xb8;
	[tilespmem:$0x18080] =	vst v63  }
0xf4: {  	v3 =	vadd.s32 v1, v3  }
0xf5: {  	[tilespmem:s26], [sflag:$0x1] =	stream.indirect_vreg.gather [hbm4b:s6+s3], $0x80, v4, vm0, $0xb8;
	[tilespmem:$0x18080] =	vst v63  }
0xf6: {  	_ = 	snop  }
0xf7: {  	[tilespmem:s23], [sflag:$0x1] =	stream.indirect_vreg.gather [hbm4b:s7+s3], $0x80, v4, vm0, $0xb8;
	[tilespmem:$0x18080] =	vst v63  }
0xf8: {  	_ = 	snop  }
0xf9: {  	[tilespmem:s21], [sflag:$0x1] =	stream.indirect_vreg.gather [hbm4b:s2+s3], $0x80, v3, vm0, $0xb8;
	[tilespmem:$0x18080] =	vst v63  }
0xfa: {  	s28 =	simm.s32 $0xA880  }
0xfb: {  	[tilespmem:s28], [sflag:$0x1] =	stream.indirect_vreg.gather [hbm4b:s5+s3], $0x80, v3, vm0, $0xb8;
	[tilespmem:$0x18080] =	vst v63  }
0xfc: {  	s28 =	simm.s32 $0xB080  }
0xfd: {  	[tilespmem:s28], [sflag:$0x1] =	stream.indirect_vreg.gather [hbm4b:s6+s3], $0x80, v3, vm0, $0xb8;
	[tilespmem:$0x18080] =	vst v63  }
0xfe: {  	s28 =	simm.s32 $0xB880  }
0xff: {  	[tilespmem:s28], [sflag:$0x1] =	stream.indirect_vreg.gather [hbm4b:s7+s3], $0x80, v3, vm0, $0xb8;
	[tilespmem:$0x18080] =	vst v63  }
0x100: {  	s28 =	rddreg [dreg:$0x8]  }
0x101: {  	[hbm4b:s28+s3] =	stream.linear.scatter [tilespmem:s0], [sflag:$0x4], $0xC000, $0x38;
	[tilespmem:$0x18080] =	vst v63  }
0x102: {  	_ =	swait.ge [sflag:s22], $0xC000  }
0x103: {  	[sflag:s22] =	ssyncset.done $0x0  }
0x104: {  	s28 =	simm.s32 $0x4;
	[sflag:s22] =	ssyncadd.s32 $0xFFFF4000  }
0x105: {  	_ =	swait.ge [sflag:s28], $0xC000  }
0x106: {  	[sflag:s28] =	ssyncset.done $0x0  }
0x107: {  	[sflag:s28] =	ssyncadd.s32 $0xFFFF4000;
	s28 =	rddreg [dreg:$0x9]  }
0x108: {  	[tilespmem:s3], [sflag:$0x5] =	stream.linear.gather [hbm4b:s28+s3], $0x30, $0x38;
	[tilespmem:$0x18080] =	vst v63  }
0x109: {  	_ =	swait.ge [sflag:s20], $0x30  }
0x10a: {  	[sflag:s20] =	ssyncset.done $0x0  }
0x10b: {  	[sflag:s20] =	ssyncadd.s32 $0xFFFFFFD0  }
0x10c: {  	v3 =	vld [tilespmem:$0x0];
	_ =	sdelay $0x4  }
0x10d: {  	v58 =	vshll.u32 v3, $0x3  }
0x10e: {  	v3 =	vand.u32 $0x7, v3;
	v4 =	vand.u32 $0xFFFFFFC0, v58  }
0x10f: {  	v3 =	vor.u32 v3, v4  }
0x110: {  	v4 =	vperm.xlane v3, v0;
	_ =	sdelay $0x1  }
0x111: {  	v4 =	vadd.s32 v1, v4;
	_ =	sdelay $0x4  }
0x112: {  	[tilespmem:s0], [sflag:$0x2] =	stream.indirect_vreg.gather [hbm4b:s2+s3], $0x80, v4, vm0, $0xb8;
	[tilespmem:$0x18080] =	vst v63  }
0x113: {  	v3 =	vperm.xlane v3, v2  }
0x114: {  	[tilespmem:s1], [sflag:$0x2] =	stream.indirect_vreg.gather [hbm4b:s5+s3], $0x80, v4, vm0, $0xb8;
	[tilespmem:$0x18080] =	vst v63  }
0x115: {  	v3 =	vadd.s32 v1, v3  }
0x116: {  	[tilespmem:s4], [sflag:$0x2] =	stream.indirect_vreg.gather [hbm4b:s6+s3], $0x80, v4, vm0, $0xb8;
	[tilespmem:$0x18080] =	vst v63  }
0x117: {  	s4 =	simm.s32 $0xD880  }
0x118: {  	[tilespmem:s4], [sflag:$0x2] =	stream.indirect_vreg.gather [hbm4b:s7+s3], $0x80, v4, vm0, $0xb8;
	[tilespmem:$0x18080] =	vst v63  }
0x119: {  	_ = 	snop  }
0x11a: {  	[tilespmem:s8], [sflag:$0x2] =	stream.indirect_vreg.gather [hbm4b:s2+s3], $0x80, v3, vm0, $0xb8;
	[tilespmem:$0x18080] =	vst v63  }
0x11b: {  	s8 =	simm.s32 $0xE880  }
0x11c: {  	[tilespmem:s8], [sflag:$0x2] =	stream.indirect_vreg.gather [hbm4b:s5+s3], $0x80, v3, vm0, $0xb8;
	[tilespmem:$0x18080] =	vst v63  }
0x11d: {  	_ = 	snop  }
0x11e: {  	[tilespmem:s9], [sflag:$0x2] =	stream.indirect_vreg.gather [hbm4b:s6+s3], $0x80, v3, vm0, $0xb8;
	[tilespmem:$0x18080] =	vst v63  }
0x11f: {  	s9 =	simm.s32 $0xF880  }
0x120: {  	[tilespmem:s9], [sflag:$0x2] =	stream.indirect_vreg.gather [hbm4b:s7+s3], $0x80, v3, vm0, $0xb8;
	[tilespmem:$0x18080] =	vst v63  }
0x121: {  	v3 =	vld [tilespmem:$0x10];
	_ =	sdelay $0x4  }
0x122: {  	v59 =	vshll.u32 v3, $0x3  }
0x123: {  	v3 =	vand.u32 $0x7, v3;
	v4 =	vand.u32 $0xFFFFFFC0, v59  }
0x124: {  	v3 =	vor.u32 v3, v4  }
0x125: {  	v4 =	vperm.xlane v3, v0;
	_ =	sdelay $0x1  }
0x126: {  	v4 =	vadd.s32 v1, v4;
	_ =	sdelay $0x4  }
0x127: {  	[tilespmem:s10], [sflag:$0x2] =	stream.indirect_vreg.gather [hbm4b:s2+s3], $0x80, v4, vm0, $0xb8;
	[tilespmem:$0x18080] =	vst v63  }
0x128: {  	v3 =	vperm.xlane v3, v2;
	s10 =	simm.s32 $0x10880  }
0x129: {  	[tilespmem:s10], [sflag:$0x2] =	stream.indirect_vreg.gather [hbm4b:s5+s3], $0x80, v4, vm0, $0xb8;
	[tilespmem:$0x18080] =	vst v63  }
0x12a: {  	v3 =	vadd.s32 v1, v3  }
0x12b: {  	[tilespmem:s11], [sflag:$0x2] =	stream.indirect_vreg.gather [hbm4b:s6+s3], $0x80, v4, vm0, $0xb8;
	[tilespmem:$0x18080] =	vst v63  }
0x12c: {  	s11 =	simm.s32 $0x11880  }
0x12d: {  	[tilespmem:s11], [sflag:$0x2] =	stream.indirect_vreg.gather [hbm4b:s7+s3], $0x80, v4, vm0, $0xb8;
	[tilespmem:$0x18080] =	vst v63  }
0x12e: {  	_ = 	snop  }
0x12f: {  	[tilespmem:s12], [sflag:$0x2] =	stream.indirect_vreg.gather [hbm4b:s2+s3], $0x80, v3, vm0, $0xb8;
	[tilespmem:$0x18080] =	vst v63  }
0x130: {  	s12 =	simm.s32 $0x12880  }
0x131: {  	[tilespmem:s12], [sflag:$0x2] =	stream.indirect_vreg.gather [hbm4b:s5+s3], $0x80, v3, vm0, $0xb8;
	[tilespmem:$0x18080] =	vst v63  }
0x132: {  	_ = 	snop  }
0x133: {  	[tilespmem:s13], [sflag:$0x2] =	stream.indirect_vreg.gather [hbm4b:s6+s3], $0x80, v3, vm0, $0xb8;
	[tilespmem:$0x18080] =	vst v63  }
0x134: {  	s13 =	simm.s32 $0x13880  }
0x135: {  	[tilespmem:s13], [sflag:$0x2] =	stream.indirect_vreg.gather [hbm4b:s7+s3], $0x80, v3, vm0, $0xb8;
	[tilespmem:$0x18080] =	vst v63  }
0x136: {  	v3 =	vld [tilespmem:$0x20];
	_ =	sdelay $0x4  }
0x137: {  	v60 =	vshll.u32 v3, $0x3  }
0x138: {  	v3 =	vand.u32 $0x7, v3;
	v4 =	vand.u32 $0xFFFFFFC0, v60  }
0x139: {  	v3 =	vor.u32 v3, v4  }
0x13a: {  	v4 =	vperm.xlane v3, v0;
	_ =	sdelay $0x1  }
0x13b: {  	v4 =	vadd.s32 v1, v4;
	_ =	sdelay $0x4  }
0x13c: {  	[tilespmem:s14], [sflag:$0x2] =	stream.indirect_vreg.gather [hbm4b:s2+s3], $0x80, v4, vm0, $0xb8;
	[tilespmem:$0x18080] =	vst v63  }
0x13d: {  	v3 =	vperm.xlane v3, v2;
	s14 =	simm.s32 $0x14880  }
0x13e: {  	[tilespmem:s14], [sflag:$0x2] =	stream.indirect_vreg.gather [hbm4b:s5+s3], $0x80, v4, vm0, $0xb8;
	[tilespmem:$0x18080] =	vst v63  }
0x13f: {  	v3 =	vadd.s32 v1, v3  }
0x140: {  	[tilespmem:s15], [sflag:$0x2] =	stream.indirect_vreg.gather [hbm4b:s6+s3], $0x80, v4, vm0, $0xb8;
	[tilespmem:$0x18080] =	vst v63  }
0x141: {  	s15 =	simm.s32 $0x15880  }
0x142: {  	[tilespmem:s15], [sflag:$0x2] =	stream.indirect_vreg.gather [hbm4b:s7+s3], $0x80, v4, vm0, $0xb8;
	[tilespmem:$0x18080] =	vst v63  }
0x143: {  	_ = 	snop  }
0x144: {  	[tilespmem:s16], [sflag:$0x2] =	stream.indirect_vreg.gather [hbm4b:s2+s3], $0x80, v3, vm0, $0xb8;
	[tilespmem:$0x18080] =	vst v63  }
0x145: {  	s16 =	simm.s32 $0x16880  }
0x146: {  	[tilespmem:s16], [sflag:$0x2] =	stream.indirect_vreg.gather [hbm4b:s5+s3], $0x80, v3, vm0, $0xb8;
	[tilespmem:$0x18080] =	vst v63  }
0x147: {  	_ = 	snop  }
0x148: {  	[tilespmem:s17], [sflag:$0x2] =	stream.indirect_vreg.gather [hbm4b:s6+s3], $0x80, v3, vm0, $0xb8;
	[tilespmem:$0x18080] =	vst v63  }
0x149: {  	s17 =	simm.s32 $0x17880  }
0x14a: {  	[tilespmem:s17], [sflag:$0x2] =	stream.indirect_vreg.gather [hbm4b:s7+s3], $0x80, v3, vm0, $0xb8;
	[tilespmem:$0x18080] =	vst v63  }
0x14b: {  	s0 =	rddreg [dreg:$0xa]  }
0x14c: {  	[hbm4b:s0+s3] =	stream.linear.scatter [tilespmem:s18], [sflag:$0x3], $0xC000, $0x38;
	[tilespmem:$0x18080] =	vst v63  }
0x14d: {  	_ =	swait.ge [sflag:s24], $0xC000  }
0x14e: {  	[sflag:s24] =	ssyncset.done $0x0  }
0x14f: {  	[sflag:s24] =	ssyncadd.s32 $0xFFFF4000  }
0x150: {  	_ =	swait.ge [sflag:s25], $0xC000  }
0x151: {  	[sflag:s25] =	ssyncset.done $0x0  }
0x152: {  	s1 =	rddreg [dreg:$0xb];
	[sflag:s25] =	ssyncadd.s32 $0xFFFF4000  }
0x153: {  	[tilespmem:s3], [sflag:$0x5] =	stream.linear.gather [hbm4b:s1+s3], $0x30, $0x38;
	[tilespmem:$0x18080] =	vst v63  }
0x154: {  	_ =	swait.ge [sflag:s20], $0x30  }
0x155: {  	[sflag:s20] =	ssyncset.done $0x0  }
0x156: {  	[sflag:s20] =	ssyncadd.s32 $0xFFFFFFD0  }
0x157: {  	v3 =	vld [tilespmem:$0x0];
	_ =	sdelay $0x4  }
0x158: {  	v61 =	vshll.u32 v3, $0x3  }
0x159: {  	v3 =	vand.u32 $0x7, v3;
	v4 =	vand.u32 $0xFFFFFFC0, v61  }
0x15a: {  	v3 =	vor.u32 v3, v4  }
0x15b: {  	v4 =	vperm.xlane v3, v0;
	_ =	sdelay $0x1  }
0x15c: {  	v4 =	vadd.s32 v1, v4;
	_ =	sdelay $0x4  }
0x15d: {  	[tilespmem:s18], [sflag:$0x1] =	stream.indirect_vreg.gather [hbm4b:s2+s3], $0x80, v4, vm0, $0xb8;
	[tilespmem:$0x18080] =	vst v63  }
0x15e: {  	v3 =	vperm.xlane v3, v2  }
0x15f: {  	[tilespmem:s29], [sflag:$0x1] =	stream.indirect_vreg.gather [hbm4b:s5+s3], $0x80, v4, vm0, $0xb8;
	[tilespmem:$0x18080] =	vst v63  }
0x160: {  	v3 =	vadd.s32 v1, v3  }
0x161: {  	[tilespmem:s30], [sflag:$0x1] =	stream.indirect_vreg.gather [hbm4b:s6+s3], $0x80, v4, vm0, $0xb8;
	[tilespmem:$0x18080] =	vst v63  }
0x162: {  	_ = 	snop  }
0x163: {  	[tilespmem:s31], [sflag:$0x1] =	stream.indirect_vreg.gather [hbm4b:s7+s3], $0x80, v4, vm0, $0xb8;
	[tilespmem:$0x18080] =	vst v63  }
0x164: {  	s25 =	simm.s32 $0x2080  }
0x165: {  	[tilespmem:s25], [sflag:$0x1] =	stream.indirect_vreg.gather [hbm4b:s2+s3], $0x80, v3, vm0, $0xb8;
	[tilespmem:$0x18080] =	vst v63  }
0x166: {  	s28 =	simm.s32 $0x2880  }
0x167: {  	[tilespmem:s28], [sflag:$0x1] =	stream.indirect_vreg.gather [hbm4b:s5+s3], $0x80, v3, vm0, $0xb8;
	[tilespmem:$0x18080] =	vst v63  }
0x168: {  	s29 =	simm.s32 $0x3080  }
0x169: {  	[tilespmem:s29], [sflag:$0x1] =	stream.indirect_vreg.gather [hbm4b:s6+s3], $0x80, v3, vm0, $0xb8;
	[tilespmem:$0x18080] =	vst v63  }
0x16a: {  	s25 =	simm.s32 $0x3880  }
0x16b: {  	[tilespmem:s25], [sflag:$0x1] =	stream.indirect_vreg.gather [hbm4b:s7+s3], $0x80, v3, vm0, $0xb8;
	[tilespmem:$0x18080] =	vst v63  }
0x16c: {  	v3 =	vld [tilespmem:$0x10];
	_ =	sdelay $0x4  }
0x16d: {  	v62 =	vshll.u32 v3, $0x3  }
0x16e: {  	v3 =	vand.u32 $0x7, v3;
	v4 =	vand.u32 $0xFFFFFFC0, v62  }
0x16f: {  	v3 =	vor.u32 v3, v4  }
0x170: {  	v4 =	vperm.xlane v3, v0;
	_ =	sdelay $0x1  }
0x171: {  	v4 =	vadd.s32 v1, v4;
	_ =	sdelay $0x3  }
0x172: {  	s28 =	simm.s32 $0x4080  }
0x173: {  	[tilespmem:s28], [sflag:$0x1] =	stream.indirect_vreg.gather [hbm4b:s2+s3], $0x80, v4, vm0, $0xb8;
	[tilespmem:$0x18080] =	vst v63  }
0x174: {  	s29 =	simm.s32 $0x4880;
	v3 =	vperm.xlane v3, v2  }
0x175: {  	[tilespmem:s29], [sflag:$0x1] =	stream.indirect_vreg.gather [hbm4b:s5+s3], $0x80, v4, vm0, $0xb8;
	[tilespmem:$0x18080] =	vst v63  }
0x176: {  	s25 =	simm.s32 $0x5080;
	v3 =	vadd.s32 v1, v3  }
0x177: {  	[tilespmem:s25], [sflag:$0x1] =	stream.indirect_vreg.gather [hbm4b:s6+s3], $0x80, v4, vm0, $0xb8;
	[tilespmem:$0x18080] =	vst v63  }
0x178: {  	s28 =	simm.s32 $0x5880  }
0x179: {  	[tilespmem:s28], [sflag:$0x1] =	stream.indirect_vreg.gather [hbm4b:s7+s3], $0x80, v4, vm0, $0xb8;
	[tilespmem:$0x18080] =	vst v63  }
0x17a: {  	s29 =	simm.s32 $0x6080  }
0x17b: {  	[tilespmem:s29], [sflag:$0x1] =	stream.indirect_vreg.gather [hbm4b:s2+s3], $0x80, v3, vm0, $0xb8;
	[tilespmem:$0x18080] =	vst v63  }
0x17c: {  	s25 =	simm.s32 $0x6880  }
0x17d: {  	[tilespmem:s25], [sflag:$0x1] =	stream.indirect_vreg.gather [hbm4b:s5+s3], $0x80, v3, vm0, $0xb8;
	[tilespmem:$0x18080] =	vst v63  }
0x17e: {  	s28 =	simm.s32 $0x7080  }
0x17f: {  	[tilespmem:s28], [sflag:$0x1] =	stream.indirect_vreg.gather [hbm4b:s6+s3], $0x80, v3, vm0, $0xb8;
	[tilespmem:$0x18080] =	vst v63  }
0x180: {  	s29 =	simm.s32 $0x7880  }
0x181: {  	[tilespmem:s29], [sflag:$0x1] =	stream.indirect_vreg.gather [hbm4b:s7+s3], $0x80, v3, vm0, $0xb8;
	[tilespmem:$0x18080] =	vst v63  }
0x182: {  	v3 =	vld [tilespmem:$0x20];
	_ =	sdelay $0x4  }
0x183: {  	v63 =	vshll.u32 v3, $0x3  }
0x184: {  	v3 =	vand.u32 $0x7, v3;
	v4 =	vand.u32 $0xFFFFFFC0, v63  }
0x185: {  	v3 =	vor.u32 v3, v4  }
0x186: {  	v4 =	vperm.xlane v3, v0;
	_ =	sdelay $0x1  }
0x187: {  	v4 =	vadd.s32 v1, v4;
	_ =	sdelay $0x3  }
0x188: {  	s25 =	simm.s32 $0x8080  }
0x189: {  	[tilespmem:s25], [sflag:$0x1] =	stream.indirect_vreg.gather [hbm4b:s2+s3], $0x80, v4, vm0, $0xb8;
	[tilespmem:$0x18080] =	vst v63  }
0x18a: {  	s28 =	simm.s32 $0x8880;
	v3 =	vperm.xlane v3, v2  }
0x18b: {  	[tilespmem:s28], [sflag:$0x1] =	stream.indirect_vreg.gather [hbm4b:s5+s3], $0x80, v4, vm0, $0xb8;
	[tilespmem:$0x18080] =	vst v63  }
0x18c: {  	v3 =	vadd.s32 v1, v3  }
0x18d: {  	[tilespmem:s26], [sflag:$0x1] =	stream.indirect_vreg.gather [hbm4b:s6+s3], $0x80, v4, vm0, $0xb8;
	[tilespmem:$0x18080] =	vst v63  }
0x18e: {  	_ = 	snop  }
0x18f: {  	[tilespmem:s23], [sflag:$0x1] =	stream.indirect_vreg.gather [hbm4b:s7+s3], $0x80, v4, vm0, $0xb8;
	[tilespmem:$0x18080] =	vst v63  }
0x190: {  	_ = 	snop  }
0x191: {  	[tilespmem:s21], [sflag:$0x1] =	stream.indirect_vreg.gather [hbm4b:s2+s3], $0x80, v3, vm0, $0xb8;
	[tilespmem:$0x18080] =	vst v63  }
0x192: {  	s29 =	simm.s32 $0xA880  }
0x193: {  	[tilespmem:s29], [sflag:$0x1] =	stream.indirect_vreg.gather [hbm4b:s5+s3], $0x80, v3, vm0, $0xb8;
	[tilespmem:$0x18080] =	vst v63  }
0x194: {  	s25 =	simm.s32 $0xB080  }
0x195: {  	[tilespmem:s25], [sflag:$0x1] =	stream.indirect_vreg.gather [hbm4b:s6+s3], $0x80, v3, vm0, $0xb8;
	[tilespmem:$0x18080] =	vst v63  }
0x196: {  	s28 =	simm.s32 $0xB880  }
0x197: {  	[tilespmem:s28], [sflag:$0x1] =	stream.indirect_vreg.gather [hbm4b:s7+s3], $0x80, v3, vm0, $0xb8;
	[tilespmem:$0x18080] =	vst v63  }
.Ltmp2:
0x198: {  	s0 =	simm.s32 $0xC080;
	s29 =	rddreg [dreg:$0xc];
	(pc) =	sbr.rel @p0 .LBB2_3-.Ltmp2, $4  }
0x199: {  	[hbm4b:s29+s3] =	stream.linear.scatter [tilespmem:s0], [sflag:$0x4], $0xC000, $0x38;
	[tilespmem:$0x18080] =	vst v63  }
0x19a: {  	_ =	swait.ge [sflag:s22], $0xC000  }
0x19b: {  	[sflag:s22] =	ssyncset.done $0x0  }
0x19c: {  	[sflag:s22] =	ssyncadd.s32 $0xFFFF4000  }
0x19d: {  	s28 =	simm.s32 $0x4  }
0x19e: {  	_ =	swait.ge [sflag:s28], $0xC000  }
0x19f: {  	[sflag:s28] =	ssyncset.done $0x0  }
0x1a0: {  	s29 =	rddreg [dreg:$0xe];
	[sflag:s28] =	ssyncadd.s32 $0xFFFF4000  }
0x1a1: {  	[tilespmem:s3], [sflag:$0x5] =	stream.linear.gather [hbm4b:s29+s3], $0x30, $0x38;
	[tilespmem:$0x18080] =	vst v63  }
0x1a2: {  	_ =	swait.ge [sflag:s20], $0x30  }
0x1a3: {  	[sflag:s20] =	ssyncset.done $0x0  }
0x1a4: {  	[sflag:s20] =	ssyncadd.s32 $0xFFFFFFD0  }
0x1a5: {  	v3 =	vld [tilespmem:$0x0];
	_ =	sdelay $0x4  }
0x1a6: {  	v4 =	vshll.u32 v3, $0x3  }
0x1a7: {  	v3 =	vand.u32 $0x7, v3;
	v4 =	vand.u32 $0xFFFFFFC0, v4  }
0x1a8: {  	v3 =	vor.u32 v3, v4  }
0x1a9: {  	v4 =	vperm.xlane v3, v0;
	_ =	sdelay $0x1  }
0x1aa: {  	v4 =	vadd.s32 v1, v4;
	_ =	sdelay $0x4  }
0x1ab: {  	[tilespmem:s0], [sflag:$0x2] =	stream.indirect_vreg.gather [hbm4b:s2+s3], $0x80, v4, vm0, $0xb8;
	[tilespmem:$0x18080] =	vst v63  }
0x1ac: {  	s1 =	simm.s32 $0xC880;
	v3 =	vperm.xlane v3, v2  }
0x1ad: {  	[tilespmem:s1], [sflag:$0x2] =	stream.indirect_vreg.gather [hbm4b:s5+s3], $0x80, v4, vm0, $0xb8;
	[tilespmem:$0x18080] =	vst v63  }
0x1ae: {  	s25 =	simm.s32 $0xD080;
	v3 =	vadd.s32 v1, v3  }
0x1af: {  	[tilespmem:s25], [sflag:$0x2] =	stream.indirect_vreg.gather [hbm4b:s6+s3], $0x80, v4, vm0, $0xb8;
	[tilespmem:$0x18080] =	vst v63  }
0x1b0: {  	_ = 	snop  }
0x1b1: {  	[tilespmem:s4], [sflag:$0x2] =	stream.indirect_vreg.gather [hbm4b:s7+s3], $0x80, v4, vm0, $0xb8;
	[tilespmem:$0x18080] =	vst v63  }
0x1b2: {  	s4 =	simm.s32 $0xE080  }
0x1b3: {  	[tilespmem:s4], [sflag:$0x2] =	stream.indirect_vreg.gather [hbm4b:s2+s3], $0x80, v3, vm0, $0xb8;
	[tilespmem:$0x18080] =	vst v63  }
0x1b4: {  	_ = 	snop  }
0x1b5: {  	[tilespmem:s8], [sflag:$0x2] =	stream.indirect_vreg.gather [hbm4b:s5+s3], $0x80, v3, vm0, $0xb8;
	[tilespmem:$0x18080] =	vst v63  }
0x1b6: {  	s8 =	simm.s32 $0xF080  }
0x1b7: {  	[tilespmem:s8], [sflag:$0x2] =	stream.indirect_vreg.gather [hbm4b:s6+s3], $0x80, v3, vm0, $0xb8;
	[tilespmem:$0x18080] =	vst v63  }
0x1b8: {  	_ = 	snop  }
0x1b9: {  	[tilespmem:s9], [sflag:$0x2] =	stream.indirect_vreg.gather [hbm4b:s7+s3], $0x80, v3, vm0, $0xb8;
	[tilespmem:$0x18080] =	vst v63  }
0x1ba: {  	v3 =	vld [tilespmem:$0x10];
	_ =	sdelay $0x4  }
0x1bb: {  	v62 =	vshll.u32 v3, $0x3  }
0x1bc: {  	v3 =	vand.u32 $0x7, v3;
	v4 =	vand.u32 $0xFFFFFFC0, v62  }
0x1bd: {  	v3 =	vor.u32 v3, v4  }
0x1be: {  	v4 =	vperm.xlane v3, v0;
	_ =	sdelay $0x1  }
0x1bf: {  	v4 =	vadd.s32 v1, v4;
	_ =	sdelay $0x3  }
0x1c0: {  	s9 =	simm.s32 $0x10080  }
0x1c1: {  	[tilespmem:s9], [sflag:$0x2] =	stream.indirect_vreg.gather [hbm4b:s2+s3], $0x80, v4, vm0, $0xb8;
	[tilespmem:$0x18080] =	vst v63  }
0x1c2: {  	v3 =	vperm.xlane v3, v2  }
0x1c3: {  	[tilespmem:s10], [sflag:$0x2] =	stream.indirect_vreg.gather [hbm4b:s5+s3], $0x80, v4, vm0, $0xb8;
	[tilespmem:$0x18080] =	vst v63  }
0x1c4: {  	v3 =	vadd.s32 v1, v3;
	s10 =	simm.s32 $0x11080  }
0x1c5: {  	[tilespmem:s10], [sflag:$0x2] =	stream.indirect_vreg.gather [hbm4b:s6+s3], $0x80, v4, vm0, $0xb8;
	[tilespmem:$0x18080] =	vst v63  }
0x1c6: {  	_ = 	snop  }
0x1c7: {  	[tilespmem:s11], [sflag:$0x2] =	stream.indirect_vreg.gather [hbm4b:s7+s3], $0x80, v4, vm0, $0xb8;
	[tilespmem:$0x18080] =	vst v63  }
0x1c8: {  	s11 =	simm.s32 $0x12080  }
0x1c9: {  	[tilespmem:s11], [sflag:$0x2] =	stream.indirect_vreg.gather [hbm4b:s2+s3], $0x80, v3, vm0, $0xb8;
	[tilespmem:$0x18080] =	vst v63  }
0x1ca: {  	_ = 	snop  }
0x1cb: {  	[tilespmem:s12], [sflag:$0x2] =	stream.indirect_vreg.gather [hbm4b:s5+s3], $0x80, v3, vm0, $0xb8;
	[tilespmem:$0x18080] =	vst v63  }
0x1cc: {  	s12 =	simm.s32 $0x13080  }
0x1cd: {  	[tilespmem:s12], [sflag:$0x2] =	stream.indirect_vreg.gather [hbm4b:s6+s3], $0x80, v3, vm0, $0xb8;
	[tilespmem:$0x18080] =	vst v63  }
0x1ce: {  	_ = 	snop  }
0x1cf: {  	[tilespmem:s13], [sflag:$0x2] =	stream.indirect_vreg.gather [hbm4b:s7+s3], $0x80, v3, vm0, $0xb8;
	[tilespmem:$0x18080] =	vst v63  }
0x1d0: {  	v3 =	vld [tilespmem:$0x20];
	_ =	sdelay $0x4  }
0x1d1: {  	v63 =	vshll.u32 v3, $0x3  }
0x1d2: {  	v3 =	vand.u32 $0x7, v3;
	v4 =	vand.u32 $0xFFFFFFC0, v63  }
0x1d3: {  	v3 =	vor.u32 v3, v4  }
0x1d4: {  	v4 =	vperm.xlane v3, v0;
	_ =	sdelay $0x1  }
0x1d5: {  	v4 =	vadd.s32 v1, v4;
	_ =	sdelay $0x3  }
0x1d6: {  	s13 =	simm.s32 $0x14080  }
0x1d7: {  	[tilespmem:s13], [sflag:$0x2] =	stream.indirect_vreg.gather [hbm4b:s2+s3], $0x80, v4, vm0, $0xb8;
	[tilespmem:$0x18080] =	vst v63  }
0x1d8: {  	v3 =	vperm.xlane v3, v2  }
0x1d9: {  	[tilespmem:s14], [sflag:$0x2] =	stream.indirect_vreg.gather [hbm4b:s5+s3], $0x80, v4, vm0, $0xb8;
	[tilespmem:$0x18080] =	vst v63  }
0x1da: {  	v3 =	vadd.s32 v1, v3;
	s14 =	simm.s32 $0x15080  }
0x1db: {  	[tilespmem:s14], [sflag:$0x2] =	stream.indirect_vreg.gather [hbm4b:s6+s3], $0x80, v4, vm0, $0xb8;
	[tilespmem:$0x18080] =	vst v63  }
0x1dc: {  	_ = 	snop  }
0x1dd: {  	[tilespmem:s15], [sflag:$0x2] =	stream.indirect_vreg.gather [hbm4b:s7+s3], $0x80, v4, vm0, $0xb8;
	[tilespmem:$0x18080] =	vst v63  }
0x1de: {  	s15 =	simm.s32 $0x16080  }
0x1df: {  	[tilespmem:s15], [sflag:$0x2] =	stream.indirect_vreg.gather [hbm4b:s2+s3], $0x80, v3, vm0, $0xb8;
	[tilespmem:$0x18080] =	vst v63  }
0x1e0: {  	_ = 	snop  }
0x1e1: {  	[tilespmem:s16], [sflag:$0x2] =	stream.indirect_vreg.gather [hbm4b:s5+s3], $0x80, v3, vm0, $0xb8;
	[tilespmem:$0x18080] =	vst v63  }
0x1e2: {  	s25 =	simm.s32 $0x17080  }
0x1e3: {  	[tilespmem:s25], [sflag:$0x2] =	stream.indirect_vreg.gather [hbm4b:s6+s3], $0x80, v3, vm0, $0xb8;
	[tilespmem:$0x18080] =	vst v63  }
0x1e4: {  	_ = 	snop  }
0x1e5: {  	[tilespmem:s17], [sflag:$0x2] =	stream.indirect_vreg.gather [hbm4b:s7+s3], $0x80, v3, vm0, $0xb8;
	[tilespmem:$0x18080] =	vst v63  }
0x1e6: {  	s29 =	rddreg [dreg:$0xd]  }
0x1e7: {  	[hbm4b:s29+s3] =	stream.linear.scatter [tilespmem:s18], [sflag:$0x3], $0xC000, $0x38;
	[tilespmem:$0x18080] =	vst v63  }
.Ltmp3:
0x1e8: {  	_ =	swait.ge [sflag:s24], $0xC000;
	(pc) =	sbr.rel .LBB2_4-.Ltmp3, $4  }
0x1e9: {  	[sflag:s24] =	ssyncset.done $0x0  }
0x1ea: {  	s29 =	rddreg [dreg:$0xf];
	[sflag:s24] =	ssyncadd.s32 $0xFFFF4000  }
0x1eb: {  	[hbm4b:s29+s3] =	stream.linear.scatter [tilespmem:s0], [sflag:$0x4], $0xC000, $0x38;
	[tilespmem:$0x18080] =	vst v63  }
0x1ec: {  	s29 =	simm.s32 $0x3;
	s0 =	simm.s32 $0x80  }
.LBB2_5:
0x1ed: {  	_ =	sfence.sel $0x180000  }
0x1ee: {  	[bflag:$0x0] =	sbarrier.arrive $0xFFFF  }
0x1ef: {  	_ =	strace $0x9000004A  }
0x1f0: {  	s0 =	stileid.u32;
	[bflag:$0x2] =	sbarrier.arrive $0xFFFF  }
0x1f1: {  	p0 =	sne.s32 s0, $0x0;
	s0 =	rddreg [dreg:$0x3]  }
0x1f2: {  	s0 =	sadd.s32 @!p0 $0x100000, s0  }
0x1f3: {  	[sflag:s0] =	ssyncadd.tile.s32 @!p0 $0x1;
	_ =	shalt  }
.Lfunc_end2:
_tile_overlayer_lowered:
.L_overlay_start_2:
0x1f4: {  	(tag) =	ssettag $0x2  }
0x1f5: {  	s0 =	rddreg [dreg:$0x0];
	s2 =	stileid.u32  }
0x1f6: {  	s1 =	rddreg [dreg:$0x1];
	p0 =	sne.s32 s2, $0x0  }
0x1f7: {  	s3 =	rddreg [dreg:$0x2];
	[bflag:$0x3] =	sbarrier.arrive $0xFFFF;
	s2 =	simm.s32 @!p0 $0x1C05  }
0x1f8: {  	[timem:s3], [sflag:s2] =	dma.local @!p0 [hbm:s0], s1  }
0x1f9: {  	s0 =	simm.s32 @!p0 $0x5  }
0x1fa: {  	_ =	swait.ge @!p0 [sflag:s0], s1  }
0x1fb: {  	s1 =	ssub.s32 @!p0 $0x0, s1;
	[sflag:s0] =	ssyncset.done @!p0 $0x0  }
0x1fc: {  	[sflag:s0] =	ssyncadd.s32 @!p0 s1  }
0x1fd: {  	[bflag:$0x3] =	sbarrier.arrive $0xFFFF  }
0x1fe: {  	_ =	shalt  }

// kernel: kernel.13.cloned.1.call-start
scs
__scs_entry_jumppad:
0x0: {  	(pc) =	sbr.rel $0x88, $3  }
0x1: {  	(tag) =	ssettag $0x0;
	lr =	simm.s32 $0x1  }
0x2: {  	[smem:$0x3F9D] =	sst lr;
	_ =	strace $0xD0000000  }
0x3: {  	_ = 	snop  }
0x4: {  	_ = 	snop  }
0x5: {  	_ = 	snop  }
0x6: {  	_ = 	snop  }
0x7: {  	_ = 	snop  }
__scs_overlays_trampoline_lowered:
0x8: {  	[smem:$0x3FAC] =	sst s0  }
0x9: {  	[smem:$0x3FAD] =	sst s1  }
0xa: {  	[smem:$0x3FAE] =	sst s2  }
0xb: {  	[smem:$0x3FAF] =	sst s3  }
0xc: {  	[smem:$0x3FB0] =	sst s4  }
0xd: {  	[smem:$0x3FB1] =	sst s5  }
0xe: {  	[smem:$0x3FB2] =	sst s6  }
0xf: {  	[smem:$0x3FB3] =	sst s7  }
0x10: {  	[smem:$0x3FB4] =	sst s8  }
0x11: {  	[smem:$0x3FB5] =	sst s9;
	s0 =	simm.s32 @!p0 $0x0  }
0x12: {  	s1 =	sld [smem:$0x3F9B];
	s0 =	simm.s32 @p0 $0x1  }
0x13: {  	[smem:$0x3FB6] =	sst s0;
	s0 =	simm.s32 @!p1 $0x0  }
0x14: {  	s2 =	sld [smem:$0x3F9A];
	s0 =	simm.s32 @p1 $0x1  }
0x15: {  	[smem:$0x3FB7] =	sst s0;
	s0 =	simm.s32 @!p2 $0x0  }
0x16: {  	s3 =	sld [smem:$0x3FDB];
	s0 =	simm.s32 @p2 $0x1  }
0x17: {  	s4 =	simm.s32 $0x1BF5;
	[smem:$0x3FB9] =	sst s0  }
0x18: {  	s0 =	sld [smem:$0x3F9C];
	_ =	swait.ge [sflag:s4], $0x0  }
0x19: {  	s7 =	sld [smem:$0x3F9D]  }
0x1a: {  	s8 =	sadd.s32 $0xFFFFE003, lr  }
0x1b: {  	s9 =	sadd.s32 $0xFFFFFEF7, lr;
	s5 =	simm.s32 $0xFFFFFFFF;
	p2 =	slt.u32 s8, $0xFFFFF086  }
0x1c: {  	p1 =	slt.u32 s9, $0xF7A;
	s5 =	simm.s32 @!p2 $0x0  }
0x1d: {  	s5 =	simm.s32 @p1 $0x1;
	p0 =	seq.s32 s7, s2  }
0x1e: {  	s7 =	smul.u32 @!p0 $0xF7A, s2;
	p2 =	seq.s32 @!p0 s5, $0x0  }
0x1f: {  	s9 =	smul.u32 $0xF7A, s1;
	s8 =	simm.s32 @!p0 $0x1BF5;
	p2 =	por !p2, p0  }
0x20: {  	[sflag:s8] =	ssyncset.s32 @!p0 $0xFFFFF086;
	s6 =	sadd.s32 @!p0 s3, s7;
	s7 =	simm.s32 @!p0 $0x108  }
0x21: {  	s3 =	sadd.s32 s3, s9;
	s6 =	sadd.s32 @!p0 $0x88, s6;
	s7 =	simm.s32 @p2 $0x1082  }
0x22: {  	[simem:s7], [sflag:s8] =	dma.local @!p0 [hbm:s6], $0xF7A  }
0x23: {  	s9 =	sor.u32 $0xD0000000, s2;
	s6 =	simm.s32 $0x108;
	_ =	swait.ge @!p0 [sflag:s8], $0x0  }
0x24: {  	s3 =	sadd.s32 $0x88, s3;
	s6 =	simm.s32 @!p1 $0x1082;
	[sflag:s4] =	ssyncset.s32 $0xFFFFF086  }
0x25: {  	[simem:s6], [sflag:s4] =	dma.local [hbm:s3], $0xF7A  }
0x26: {  	[smem:$0x3F9D] =	sst s1;
	(tag) =	ssettag s2;
	_ =	strace s9  }
0x27: {  	s1 =	sld [smem:$0x3FAD]  }
0x28: {  	s2 =	sld [smem:$0x3FAE]  }
0x29: {  	s4 =	sld [smem:$0x3FB0]  }
0x2a: {  	p0 =	seq.s32 s5, $0x0;
	s5 =	sld [smem:$0x3FB1]  }
0x2b: {  	s6 =	sld [smem:$0x3FB2]  }
0x2c: {  	s7 =	sld [smem:$0x3FB3]  }
0x2d: {  	s3 =	simm.s32 $0x108;
	s8 =	sld [smem:$0x3FB4]  }
0x2e: {  	s3 =	simm.s32 @!p0 $0x1082;
	s9 =	sld [smem:$0x3FB5]  }
0x2f: {  	lr =	sadd.s32 s0, s3;
	s0 =	sld [smem:$0x3FAC]  }
0x30: {  	s3 =	sld [smem:$0x3FAF]  }
0x31: {  	[smem:$0x3FB8] =	sst s10  }
0x32: {  	s10 =	sld [smem:$0x3FB6];
	_ =	sdelay $0x3  }
0x33: {  	p0 =	seq.s32 s10, $0x1;
	s10 =	sld [smem:$0x3FB8];
	_ =	sdelay $0x3  }
0x34: {  	[smem:$0x3FB8] =	sst s10  }
0x35: {  	s10 =	sld [smem:$0x3FB7];
	_ =	sdelay $0x3  }
0x36: {  	p1 =	seq.s32 s10, $0x1;
	s10 =	sld [smem:$0x3FB8];
	_ =	sdelay $0x3  }
0x37: {  	[smem:$0x3FB8] =	sst s10  }
0x38: {  	s10 =	sld [smem:$0x3FB9]  }
0x39: {  	_ = 	snop;
	(pc) =	sbr.ind lr, $3  }
0x3a: {  	_ = 	snop  }
0x3b: {  	_ = 	snop  }
0x3c: {  	p2 =	seq.s32 s10, $0x1;
	s10 =	sld [smem:$0x3FB8]  }
0x3d: {  	_ =	shalt  }
0x3e: {  	_ =	shalt  }
0x3f: {  	_ =	shalt  }
0x40: {  	_ =	shalt  }
0x41: {  	_ =	shalt  }
0x42: {  	_ =	shalt  }
0x43: {  	_ =	shalt  }
0x44: {  	_ =	shalt  }
0x45: {  	_ =	shalt  }
0x46: {  	_ =	shalt  }
0x47: {  	_ =	shalt  }
0x48: {  	_ =	shalt  }
0x49: {  	_ =	shalt  }
0x4a: {  	_ =	shalt  }
0x4b: {  	_ =	shalt  }
0x4c: {  	_ =	shalt  }
0x4d: {  	_ =	shalt  }
0x4e: {  	_ =	shalt  }
0x4f: {  	_ =	shalt  }
0x50: {  	_ =	shalt  }
0x51: {  	_ =	shalt  }
0x52: {  	_ =	shalt  }
0x53: {  	_ =	shalt  }
0x54: {  	_ =	shalt  }
0x55: {  	_ =	shalt  }
0x56: {  	_ =	shalt  }
0x57: {  	_ =	shalt  }
0x58: {  	_ =	shalt  }
0x59: {  	_ =	shalt  }
0x5a: {  	_ =	shalt  }
0x5b: {  	_ =	shalt  }
0x5c: {  	_ =	shalt  }
0x5d: {  	_ =	shalt  }
0x5e: {  	_ =	shalt  }
0x5f: {  	_ =	shalt  }
0x60: {  	_ =	shalt  }
0x61: {  	_ =	shalt  }
0x62: {  	_ =	shalt  }
0x63: {  	_ =	shalt  }
0x64: {  	_ =	shalt  }
0x65: {  	_ =	shalt  }
0x66: {  	_ =	shalt  }
0x67: {  	_ =	shalt  }
0x68: {  	_ =	shalt  }
0x69: {  	_ =	shalt  }
0x6a: {  	_ =	shalt  }
0x6b: {  	_ =	shalt  }
0x6c: {  	_ =	shalt  }
0x6d: {  	_ =	shalt  }
0x6e: {  	_ =	shalt  }
0x6f: {  	_ =	shalt  }
0x70: {  	_ =	shalt  }
0x71: {  	_ =	shalt  }
0x72: {  	_ =	shalt  }
0x73: {  	_ =	shalt  }
0x74: {  	_ =	shalt  }
0x75: {  	_ =	shalt  }
0x76: {  	_ =	shalt  }
0x77: {  	_ =	shalt  }
0x78: {  	_ =	shalt  }
0x79: {  	_ =	shalt  }
0x7a: {  	_ =	shalt  }
0x7b: {  	_ =	shalt  }
0x7c: {  	_ =	shalt  }
0x7d: {  	_ =	shalt  }
0x7e: {  	_ =	shalt  }
0x7f: {  	_ =	shalt  }
0x80: {  	_ =	shalt  }
0x81: {  	_ =	shalt  }
0x82: {  	_ =	shalt  }
0x83: {  	_ =	shalt  }
0x84: {  	_ =	shalt  }
0x85: {  	_ =	shalt  }
0x86: {  	_ =	shalt  }
0x87: {  	_ =	shalt  }
.Lfunc_end0:
.L_simem_size_0:
called_computation.2_lowered:
.L_overlay_start_0:
0x88: {  	s2 =	sld [smem:$0x3FD9]  }
0x89: {  	s3 =	sld [smem:$0x3FFE];
	_ =	sdelay $0x1  }
0x8a: {  	s1 =	srdreg.scid  }
0x8b: {  	s0 =	sand.u32 $0x1, s1  }
0x8c: {  	s17 =	sshll.u32 s0, $0xA;
	s2 =	sadd.s32 s3, s2  }
0x8d: {  	s2 =	sadd.s32 s2, s17  }
0x8e: {  	[smem:$0x3FC4] =	sst s2  }
0x8f: {  	_ = 	snop  }
0x90: {  	s2 =	sld [smem:$0x3FD0];
	(tm) =	ssettm $0x1  }
0x91: {  	s18 =	sld [smem:$0x3FFB];
	_ =	sdelay $0x3  }
0x92: {  	_ =	strace s18  }
0x93: {  	s3 =	sld [smem:$0x3FFC];
	_ =	sdelay $0x3  }
0x94: {  	_ =	strace s3  }
0x95: {  	s3 =	sld [smem:$0x3FFD];
	_ =	sdelay $0x3  }
0x96: {  	_ =	strace s3  }
0x97: {  	_ =	strace $0x8FFFFFFF  }
0x98: {  	s19 =	sld [smem:$0x3FDB];
	_ =	sdelay $0x1  }
0x99: {  	s4 =	simm.s32 $_scs_section_size  }
0x9a: {  	s5 =	simm.s32 $_size__tile_overlayer_lowered;
	s6 =	simm.s32 $_tile_overlayer_lowered  }
0x9b: {  	s22 =	simm.s32 $0x1BFF;
	s21 =	sshll.u32 s6, $0x1;
	s3 =	sadd.s32 s4, s19  }
0x9c: {  	s7 =	simm.s32 $0x0;
	s20 =	sshll.u32 s5, $0x1;
	s5 =	sadd.s32 s21, s3  }
0x9d: {  	[timem:s7], [sflag:s22] =	dma.local [hbm:s5], s20  }
0x9e: {  	_ =	swait.ge [sflag:s22], s20  }
0x9f: {  	s4 =	ssub.s32 $0x0, s20;
	[sflag:s22] =	ssyncset.done $0x0  }
0xa0: {  	[sflag:s22] =	ssyncadd.s32 s4;
	_ =	sdelay $0x1  }
0xa1: {  	s23 =	simm.s32 $0x1B8B  }
0xa2: {  	_ =	swait.ge [sflag:s23], $0x1  }
0xa3: {  	[sflag:s23] =	ssyncset.done $0x0  }
0xa4: {  	s25 =	simm.s32 $0x1B8E;
	s24 =	sld [smem:$0x3FFE];
	[sflag:s23] =	ssyncadd.s32 $0xFFFFFFFF  }
0xa5: {  	s26 =	simm.s32 $execute0_lowered;
	[smem:$0x3FD2] =	sst s25  }
0xa6: {  	s5 =	sshll.u32 s26, $0x1;
	_ =	strace $0x8000004C;
	[dreg:$0x1] =	wrdreg $0xFFFFFFFF  }
0xa7: {  	s28 =	simm.s32 $_size_execute0_lowered;
	s3 =	sadd.s32 s3, s5;
	[dreg:$0x0] =	wrdreg $0x0  }
0xa8: {  	s5 =	sshll.u32 s28, $0x1;
	[dreg:$0x2] =	wrdreg s3  }
0xa9: {  	[dreg:$0x3] =	wrdreg s5  }
0xaa: {  	[dreg:$0x4] =	wrdreg $0xC0  }
0xab: {  	_ =	task [dreg:s7], $0x5FFFF  }
0xac: {  	[dreg:$0x1] =	wrdreg $0xFFFFFFFF  }
0xad: {  	[dreg:$0x0] =	wrdreg $0x60  }
0xae: {  	[dreg:$0x2] =	wrdreg s24  }
0xaf: {  	[dreg:$0x3] =	wrdreg s2  }
0xb0: {  	[dreg:$0x4] =	wrdreg $0x9  }
0xb1: {  	_ =	task.clear_ibuf [dreg:s7], $0x5FFFF;
	_ =	strace $0x9000004C  }
0xb2: {  	s29 =	simm.s32 $0x9;
	_ =	strace $0x8000004E  }
0xb3: {  	_ =	swait.ge [sflag:s29], $0x1  }
0xb4: {  	[sflag:s29] =	ssyncadd.s32 $0xFFFFFFFF  }
0xb5: {  	_ =	strace $0x9000004E  }
0xb6: {  	_ =	sfence  }
0xb7: {  	s30 =	sld [smem:$0x0];
	_ =	sdelay $0x2  }
0xb8: {  	s31 =	sshll.u32 s1, $0xD;
	s1 =	sshrl.u32 s1, $0x2  }
0xb9: {  	s3 =	sand.u32 $0x4000, s31;
	s1 =	sadd.s32 s1, s30  }
0xba: {  	s0 =	sor.u32 s3, s0;
	s1 =	sshll.u32 s1, $0x11  }
0xbb: {  	s0 =	sor.u32 s1, s0  }
0xbc: {  	s0 =	sadd.s32 $0x8F2B, s0  }
0xbd: {  	[sflag:s0] =	ssyncadd.remote.s32 $0x1  }
0xbe: {  	_ =	sfence.sel $0xFFFF  }
0xbf: {  	[dreg:$0x0] =	wrdreg $0xFFFFFFFF;
	(pc) =	sbr.abs _section_cstart, $3  }
0xc0: {  	[dreg:$0x1] =	wrdreg $0xFFFFFFFF  }
0xc1: {  	_ =	task.clear_ibuf [dreg:s7], $0x2FFFF;
	_ =	strace $0x9FFFFFFF  }
0xc2: {  	(tm) =	ssettm $0x7FFFFFFF  }
0xc3: {  	_ =	shalt  }
tec
execute0_lowered:
.L_overlay_start_1:
0x0: {  	(tag) =	ssettag $0x1  }
0x1: {  	s0 =	rddreg [dreg:$0x0]  }
0x2: {  	s1 =	rddreg [dreg:$0x1];
	s2 =	simm.s32 $0x0  }
0x3: {  	s3 =	srdreg.scid;
	s5 =	stileid.u32;
	s19 =	simm.s32 $0x2  }
0x4: {  	s28 =	simm.s32 $0x1880;
	s29 =	simm.s32 $0x2080;
	s30 =	simm.s32 $0x2880  }
0x5: {  	s31 =	simm.s32 $0x3080;
	s12 =	simm.s32 $0x5880;
	s13 =	simm.s32 $0x6080  }
0x6: {  	s14 =	simm.s32 $0x6880;
	s15 =	simm.s32 $0x7080;
	s16 =	simm.s32 $0x7880  }
0x7: {  	s18 =	simm.s32 $0x9080;
	[smem:$0x7FF] =	sst s2;
	s4 =	sand.u32 $0x1, s3  }
0x8: {  	s5 =	sshll.u32 s5, $0x1;
	s6 =	sadd.s32 $0x1A00, s0;
	s3 =	sadd.s32 $0x10A400, s0  }
0x9: {  	_ =	strace $0x8000004D;
	s5 =	sor.u32 s4, s5;
	s4 =	ssub.s32 $0x2, s4  }
0xa: {  	s7 =	sshll.u32 s5, $0x2;
	s8 =	sshll.u32 s5, $0x5;
	s9 =	sshrl.u32 s4, $0x1  }
0xb: {  	s5 =	sshll.u32 s5, $0xC;
	s7 =	sadd.s32 s6, s7;
	s10 =	sor.u32 $0x400, s8  }
0xc: {  	s9 =	ssub.s32 s4, s9;
	s4 =	sadd.s32 $0x10A500, s0;
	s21 =	sadd.s32 s1, s5  }
0xd: {  	s11 =	sor.u32 $0x800, s8;
	s5 =	sadd.s32 $0x10A600, s0;
	[dreg:$0x3] =	wrdreg s7  }
0xe: {  	s8 =	sor.u32 $0xC00, s8;
	s20 =	sshrl.u32 s10, $0x3;
	[dreg:$0x5] =	wrdreg s21  }
0xf: {  	s22 =	sshrl.u32 s11, $0x3;
	s10 =	sshll.u32 s10, $0x7;
	s24 =	sshrl.u32 s8, $0x3  }
0x10: {  	s25 =	sshll.u32 s11, $0x7;
	s8 =	sshll.u32 s8, $0x7;
	s21 =	simm.s32 $0x4  }
0x11: {  	s11 =	simm.s32 $0x5080;
	s7 =	sadd.s32 s6, s20;
	s23 =	sadd.s32 s1, s10  }
0x12: {  	s26 =	sadd.s32 s1, s8;
	s8 =	simm.s32 $0x5;
	[dreg:$0x4] =	wrdreg s7  }
0x13: {  	s20 =	simm.s32 $0x3;
	s10 =	simm.s32 $0x4880;
	[dreg:$0x7] =	wrdreg s23  }
0x14: {  	s7 =	sadd.s32 s6, s22;
	s6 =	sadd.s32 s6, s24;
	[dreg:$0xa] =	wrdreg s26  }
0x15: {  	s26 =	simm.s32 $0x80;
	s23 =	simm.s32 $0x880;
	[dreg:$0x6] =	wrdreg s7  }
0x16: {  	v2 =	vlaneseq.u32;
	s24 =	simm.s32 $0x1080;
	[dreg:$0x8] =	wrdreg s6;
	s7 =	sadd.s32 s1, s25  }
0x17: {  	vm0 =	vmmov $0xffff;
	v1 =	vshrl.u32 v2, $0x3;
	s6 =	sadd.s32 $0x10A700, s0;
	s1 =	simm.s32 $0x4080;
	s25 =	simm.s32 $0x8080  }
0x18: {  	v0 =	vand.u32 $0x7, v2;
	v2 =	vor.u32 $0x8, v2;
	v1 =	vmul.u32 $0x8, v1;
	[dreg:$0x9] =	wrdreg s7;
	s7 =	smax.u32 s9, $0x1;
	s9 =	simm.s32 $0x3880  }
.LBB2_1:
0x19: {  	s22 =	rddreg [dreg:$0x3]  }
0x1a: {  	[tilespmem:s2], [sflag:$0x5] =	stream.linear.gather [hbm4b:s22+s2], $0x20, $0x38;
	[tilespmem:$0x10080] =	vst v63  }
0x1b: {  	_ =	swait.ge [sflag:s8], $0x20  }
0x1c: {  	[sflag:s8] =	ssyncset.done $0x0  }
0x1d: {  	[sflag:s8] =	ssyncadd.s32 $0xFFFFFFE0  }
0x1e: {  	v3 =	vld [tilespmem:$0x0];
	_ =	sdelay $0x4  }
0x1f: {  	v4 =	vshll.u32 v3, $0x3  }
0x20: {  	v3 =	vand.u32 $0x7, v3;
	v4 =	vand.u32 $0xFFFFFFC0, v4  }
0x21: {  	v3 =	vor.u32 v3, v4  }
0x22: {  	v4 =	vperm.xlane v3, v0;
	_ =	sdelay $0x1  }
0x23: {  	v4 =	vadd.s32 v1, v4;
	_ =	sdelay $0x4  }
0x24: {  	[tilespmem:s26], [sflag:$0x1] =	stream.indirect_vreg.gather [hbm4b:s3+s2], $0x80, v4, vm0, $0xb8;
	[tilespmem:$0x10080] =	vst v63  }
0x25: {  	v3 =	vperm.xlane v3, v2  }
0x26: {  	[tilespmem:s23], [sflag:$0x1] =	stream.indirect_vreg.gather [hbm4b:s4+s2], $0x80, v4, vm0, $0xb8;
	[tilespmem:$0x10080] =	vst v63  }
0x27: {  	v3 =	vadd.s32 v1, v3  }
0x28: {  	[tilespmem:s24], [sflag:$0x1] =	stream.indirect_vreg.gather [hbm4b:s5+s2], $0x80, v4, vm0, $0xb8;
	[tilespmem:$0x10080] =	vst v63  }
0x29: {  	_ = 	snop  }
0x2a: {  	[tilespmem:s28], [sflag:$0x1] =	stream.indirect_vreg.gather [hbm4b:s6+s2], $0x80, v4, vm0, $0xb8;
	[tilespmem:$0x10080] =	vst v63  }
0x2b: {  	_ = 	snop  }
0x2c: {  	[tilespmem:s29], [sflag:$0x1] =	stream.indirect_vreg.gather [hbm4b:s3+s2], $0x80, v3, vm0, $0xb8;
	[tilespmem:$0x10080] =	vst v63  }
0x2d: {  	_ = 	snop  }
0x2e: {  	[tilespmem:s30], [sflag:$0x1] =	stream.indirect_vreg.gather [hbm4b:s4+s2], $0x80, v3, vm0, $0xb8;
	[tilespmem:$0x10080] =	vst v63  }
0x2f: {  	_ = 	snop  }
0x30: {  	[tilespmem:s31], [sflag:$0x1] =	stream.indirect_vreg.gather [hbm4b:s5+s2], $0x80, v3, vm0, $0xb8;
	[tilespmem:$0x10080] =	vst v63  }
0x31: {  	_ = 	snop  }
0x32: {  	[tilespmem:s9], [sflag:$0x1] =	stream.indirect_vreg.gather [hbm4b:s6+s2], $0x80, v3, vm0, $0xb8;
	[tilespmem:$0x10080] =	vst v63  }
0x33: {  	v3 =	vld [tilespmem:$0x10];
	_ =	sdelay $0x4  }
0x34: {  	v57 =	vshll.u32 v3, $0x3  }
0x35: {  	v3 =	vand.u32 $0x7, v3;
	v4 =	vand.u32 $0xFFFFFFC0, v57  }
0x36: {  	v3 =	vor.u32 v3, v4  }
0x37: {  	v4 =	vperm.xlane v3, v0;
	_ =	sdelay $0x1  }
0x38: {  	v4 =	vadd.s32 v1, v4;
	_ =	sdelay $0x4  }
0x39: {  	[tilespmem:s1], [sflag:$0x1] =	stream.indirect_vreg.gather [hbm4b:s3+s2], $0x80, v4, vm0, $0xb8;
	[tilespmem:$0x10080] =	vst v63  }
0x3a: {  	v3 =	vperm.xlane v3, v2  }
0x3b: {  	[tilespmem:s10], [sflag:$0x1] =	stream.indirect_vreg.gather [hbm4b:s4+s2], $0x80, v4, vm0, $0xb8;
	[tilespmem:$0x10080] =	vst v63  }
0x3c: {  	v3 =	vadd.s32 v1, v3  }
0x3d: {  	[tilespmem:s11], [sflag:$0x1] =	stream.indirect_vreg.gather [hbm4b:s5+s2], $0x80, v4, vm0, $0xb8;
	[tilespmem:$0x10080] =	vst v63  }
0x3e: {  	_ = 	snop  }
0x3f: {  	[tilespmem:s12], [sflag:$0x1] =	stream.indirect_vreg.gather [hbm4b:s6+s2], $0x80, v4, vm0, $0xb8;
	[tilespmem:$0x10080] =	vst v63  }
0x40: {  	_ = 	snop  }
0x41: {  	[tilespmem:s13], [sflag:$0x1] =	stream.indirect_vreg.gather [hbm4b:s3+s2], $0x80, v3, vm0, $0xb8;
	[tilespmem:$0x10080] =	vst v63  }
0x42: {  	_ = 	snop  }
0x43: {  	[tilespmem:s14], [sflag:$0x1] =	stream.indirect_vreg.gather [hbm4b:s4+s2], $0x80, v3, vm0, $0xb8;
	[tilespmem:$0x10080] =	vst v63  }
0x44: {  	_ = 	snop  }
0x45: {  	[tilespmem:s15], [sflag:$0x1] =	stream.indirect_vreg.gather [hbm4b:s5+s2], $0x80, v3, vm0, $0xb8;
	[tilespmem:$0x10080] =	vst v63  }
0x46: {  	s0 =	simm.s32 $0x1  }
0x47: {  	[tilespmem:s16], [sflag:$0x1] =	stream.indirect_vreg.gather [hbm4b:s6+s2], $0x80, v3, vm0, $0xb8;
	[tilespmem:$0x10080] =	vst v63  }
0x48: {  	_ =	swait.ge [sflag:s0], $0x8000  }
0x49: {  	[sflag:s0] =	ssyncset.done $0x0  }
0x4a: {  	s17 =	rddreg [dreg:$0x4];
	[sflag:s0] =	ssyncadd.s32 $0xFFFF8000  }
0x4b: {  	[tilespmem:s2], [sflag:$0x5] =	stream.linear.gather [hbm4b:s17+s2], $0x20, $0x38;
	[tilespmem:$0x10080] =	vst v63  }
0x4c: {  	_ =	swait.ge [sflag:s8], $0x20  }
0x4d: {  	[sflag:s8] =	ssyncset.done $0x0  }
0x4e: {  	[sflag:s8] =	ssyncadd.s32 $0xFFFFFFE0  }
0x4f: {  	v3 =	vld [tilespmem:$0x0];
	_ =	sdelay $0x4  }
0x50: {  	v58 =	vshll.u32 v3, $0x3  }
0x51: {  	v3 =	vand.u32 $0x7, v3;
	v4 =	vand.u32 $0xFFFFFFC0, v58  }
0x52: {  	v3 =	vor.u32 v3, v4  }
0x53: {  	v4 =	vperm.xlane v3, v0;
	_ =	sdelay $0x1  }
0x54: {  	v4 =	vadd.s32 v1, v4;
	_ =	sdelay $0x4  }
0x55: {  	[tilespmem:s25], [sflag:$0x2] =	stream.indirect_vreg.gather [hbm4b:s3+s2], $0x80, v4, vm0, $0xb8;
	[tilespmem:$0x10080] =	vst v63  }
0x56: {  	s17 =	simm.s32 $0x8880;
	v3 =	vperm.xlane v3, v2  }
0x57: {  	[tilespmem:s17], [sflag:$0x2] =	stream.indirect_vreg.gather [hbm4b:s4+s2], $0x80, v4, vm0, $0xb8;
	[tilespmem:$0x10080] =	vst v63  }
0x58: {  	v3 =	vadd.s32 v1, v3  }
0x59: {  	[tilespmem:s18], [sflag:$0x2] =	stream.indirect_vreg.gather [hbm4b:s5+s2], $0x80, v4, vm0, $0xb8;
	[tilespmem:$0x10080] =	vst v63  }
0x5a: {  	s17 =	simm.s32 $0x9880  }
0x5b: {  	[tilespmem:s17], [sflag:$0x2] =	stream.indirect_vreg.gather [hbm4b:s6+s2], $0x80, v4, vm0, $0xb8;
	[tilespmem:$0x10080] =	vst v63  }
0x5c: {  	s17 =	simm.s32 $0xA080  }
0x5d: {  	[tilespmem:s17], [sflag:$0x2] =	stream.indirect_vreg.gather [hbm4b:s3+s2], $0x80, v3, vm0, $0xb8;
	[tilespmem:$0x10080] =	vst v63  }
0x5e: {  	s17 =	simm.s32 $0xA880  }
0x5f: {  	[tilespmem:s17], [sflag:$0x2] =	stream.indirect_vreg.gather [hbm4b:s4+s2], $0x80, v3, vm0, $0xb8;
	[tilespmem:$0x10080] =	vst v63  }
0x60: {  	s17 =	simm.s32 $0xB080  }
0x61: {  	[tilespmem:s17], [sflag:$0x2] =	stream.indirect_vreg.gather [hbm4b:s5+s2], $0x80, v3, vm0, $0xb8;
	[tilespmem:$0x10080] =	vst v63  }
0x62: {  	s17 =	simm.s32 $0xB880  }
0x63: {  	[tilespmem:s17], [sflag:$0x2] =	stream.indirect_vreg.gather [hbm4b:s6+s2], $0x80, v3, vm0, $0xb8;
	[tilespmem:$0x10080] =	vst v63  }
0x64: {  	v3 =	vld [tilespmem:$0x10];
	_ =	sdelay $0x4  }
0x65: {  	v59 =	vshll.u32 v3, $0x3  }
0x66: {  	v3 =	vand.u32 $0x7, v3;
	v4 =	vand.u32 $0xFFFFFFC0, v59  }
0x67: {  	v3 =	vor.u32 v3, v4  }
0x68: {  	v4 =	vperm.xlane v3, v0;
	_ =	sdelay $0x1  }
0x69: {  	v4 =	vadd.s32 v1, v4;
	_ =	sdelay $0x3  }
0x6a: {  	s17 =	simm.s32 $0xC080  }
0x6b: {  	[tilespmem:s17], [sflag:$0x2] =	stream.indirect_vreg.gather [hbm4b:s3+s2], $0x80, v4, vm0, $0xb8;
	[tilespmem:$0x10080] =	vst v63  }
0x6c: {  	v3 =	vperm.xlane v3, v2;
	s17 =	simm.s32 $0xC880  }
0x6d: {  	[tilespmem:s17], [sflag:$0x2] =	stream.indirect_vreg.gather [hbm4b:s4+s2], $0x80, v4, vm0, $0xb8;
	[tilespmem:$0x10080] =	vst v63  }
0x6e: {  	v3 =	vadd.s32 v1, v3;
	s17 =	simm.s32 $0xD080  }
0x6f: {  	[tilespmem:s17], [sflag:$0x2] =	stream.indirect_vreg.gather [hbm4b:s5+s2], $0x80, v4, vm0, $0xb8;
	[tilespmem:$0x10080] =	vst v63  }
0x70: {  	s17 =	simm.s32 $0xD880  }
0x71: {  	[tilespmem:s17], [sflag:$0x2] =	stream.indirect_vreg.gather [hbm4b:s6+s2], $0x80, v4, vm0, $0xb8;
	[tilespmem:$0x10080] =	vst v63  }
0x72: {  	s17 =	simm.s32 $0xE080  }
0x73: {  	[tilespmem:s17], [sflag:$0x2] =	stream.indirect_vreg.gather [hbm4b:s3+s2], $0x80, v3, vm0, $0xb8;
	[tilespmem:$0x10080] =	vst v63  }
0x74: {  	s17 =	simm.s32 $0xE880  }
0x75: {  	[tilespmem:s17], [sflag:$0x2] =	stream.indirect_vreg.gather [hbm4b:s4+s2], $0x80, v3, vm0, $0xb8;
	[tilespmem:$0x10080] =	vst v63  }
0x76: {  	s17 =	simm.s32 $0xF080  }
0x77: {  	[tilespmem:s17], [sflag:$0x2] =	stream.indirect_vreg.gather [hbm4b:s5+s2], $0x80, v3, vm0, $0xb8;
	[tilespmem:$0x10080] =	vst v63  }
0x78: {  	s17 =	simm.s32 $0xF880  }
0x79: {  	[tilespmem:s17], [sflag:$0x2] =	stream.indirect_vreg.gather [hbm4b:s6+s2], $0x80, v3, vm0, $0xb8;
	[tilespmem:$0x10080] =	vst v63  }
0x7a: {  	s22 =	rddreg [dreg:$0x5]  }
0x7b: {  	[hbm4b:s22+s2] =	stream.linear.scatter [tilespmem:s26], [sflag:$0x3], $0x8000, $0x38;
	[tilespmem:$0x10080] =	vst v63  }
0x7c: {  	_ =	swait.ge [sflag:s19], $0x8000  }
0x7d: {  	[sflag:s19] =	ssyncset.done $0x0  }
0x7e: {  	[sflag:s19] =	ssyncadd.s32 $0xFFFF8000  }
0x7f: {  	_ =	swait.ge [sflag:s20], $0x8000  }
0x80: {  	[sflag:s20] =	ssyncset.done $0x0  }
0x81: {  	s22 =	rddreg [dreg:$0x6];
	[sflag:s20] =	ssyncadd.s32 $0xFFFF8000  }
0x82: {  	[tilespmem:s2], [sflag:$0x5] =	stream.linear.gather [hbm4b:s22+s2], $0x20, $0x38;
	[tilespmem:$0x10080] =	vst v63  }
0x83: {  	_ =	swait.ge [sflag:s8], $0x20  }
0x84: {  	[sflag:s8] =	ssyncset.done $0x0  }
0x85: {  	[sflag:s8] =	ssyncadd.s32 $0xFFFFFFE0  }
0x86: {  	v3 =	vld [tilespmem:$0x0];
	_ =	sdelay $0x4  }
0x87: {  	v60 =	vshll.u32 v3, $0x3  }
0x88: {  	v3 =	vand.u32 $0x7, v3;
	v4 =	vand.u32 $0xFFFFFFC0, v60  }
0x89: {  	v3 =	vor.u32 v3, v4  }
0x8a: {  	v4 =	vperm.xlane v3, v0;
	_ =	sdelay $0x1  }
0x8b: {  	v4 =	vadd.s32 v1, v4;
	_ =	sdelay $0x4  }
0x8c: {  	[tilespmem:s26], [sflag:$0x1] =	stream.indirect_vreg.gather [hbm4b:s3+s2], $0x80, v4, vm0, $0xb8;
	[tilespmem:$0x10080] =	vst v63  }
0x8d: {  	v3 =	vperm.xlane v3, v2  }
0x8e: {  	[tilespmem:s23], [sflag:$0x1] =	stream.indirect_vreg.gather [hbm4b:s4+s2], $0x80, v4, vm0, $0xb8;
	[tilespmem:$0x10080] =	vst v63  }
0x8f: {  	v3 =	vadd.s32 v1, v3  }
0x90: {  	[tilespmem:s24], [sflag:$0x1] =	stream.indirect_vreg.gather [hbm4b:s5+s2], $0x80, v4, vm0, $0xb8;
	[tilespmem:$0x10080] =	vst v63  }
0x91: {  	_ = 	snop  }
0x92: {  	[tilespmem:s28], [sflag:$0x1] =	stream.indirect_vreg.gather [hbm4b:s6+s2], $0x80, v4, vm0, $0xb8;
	[tilespmem:$0x10080] =	vst v63  }
0x93: {  	_ = 	snop  }
0x94: {  	[tilespmem:s29], [sflag:$0x1] =	stream.indirect_vreg.gather [hbm4b:s3+s2], $0x80, v3, vm0, $0xb8;
	[tilespmem:$0x10080] =	vst v63  }
0x95: {  	_ = 	snop  }
0x96: {  	[tilespmem:s30], [sflag:$0x1] =	stream.indirect_vreg.gather [hbm4b:s4+s2], $0x80, v3, vm0, $0xb8;
	[tilespmem:$0x10080] =	vst v63  }
0x97: {  	_ = 	snop  }
0x98: {  	[tilespmem:s31], [sflag:$0x1] =	stream.indirect_vreg.gather [hbm4b:s5+s2], $0x80, v3, vm0, $0xb8;
	[tilespmem:$0x10080] =	vst v63  }
0x99: {  	_ = 	snop  }
0x9a: {  	[tilespmem:s9], [sflag:$0x1] =	stream.indirect_vreg.gather [hbm4b:s6+s2], $0x80, v3, vm0, $0xb8;
	[tilespmem:$0x10080] =	vst v63  }
0x9b: {  	v3 =	vld [tilespmem:$0x10];
	_ =	sdelay $0x4  }
0x9c: {  	v61 =	vshll.u32 v3, $0x3  }
0x9d: {  	v3 =	vand.u32 $0x7, v3;
	v4 =	vand.u32 $0xFFFFFFC0, v61  }
0x9e: {  	v3 =	vor.u32 v3, v4  }
0x9f: {  	v4 =	vperm.xlane v3, v0;
	_ =	sdelay $0x1  }
0xa0: {  	v4 =	vadd.s32 v1, v4;
	_ =	sdelay $0x4  }
0xa1: {  	[tilespmem:s1], [sflag:$0x1] =	stream.indirect_vreg.gather [hbm4b:s3+s2], $0x80, v4, vm0, $0xb8;
	[tilespmem:$0x10080] =	vst v63  }
0xa2: {  	v3 =	vperm.xlane v3, v2  }
0xa3: {  	[tilespmem:s10], [sflag:$0x1] =	stream.indirect_vreg.gather [hbm4b:s4+s2], $0x80, v4, vm0, $0xb8;
	[tilespmem:$0x10080] =	vst v63  }
0xa4: {  	v3 =	vadd.s32 v1, v3  }
0xa5: {  	[tilespmem:s11], [sflag:$0x1] =	stream.indirect_vreg.gather [hbm4b:s5+s2], $0x80, v4, vm0, $0xb8;
	[tilespmem:$0x10080] =	vst v63  }
0xa6: {  	_ = 	snop  }
0xa7: {  	[tilespmem:s12], [sflag:$0x1] =	stream.indirect_vreg.gather [hbm4b:s6+s2], $0x80, v4, vm0, $0xb8;
	[tilespmem:$0x10080] =	vst v63  }
0xa8: {  	_ = 	snop  }
0xa9: {  	[tilespmem:s13], [sflag:$0x1] =	stream.indirect_vreg.gather [hbm4b:s3+s2], $0x80, v3, vm0, $0xb8;
	[tilespmem:$0x10080] =	vst v63  }
0xaa: {  	_ = 	snop  }
0xab: {  	[tilespmem:s14], [sflag:$0x1] =	stream.indirect_vreg.gather [hbm4b:s4+s2], $0x80, v3, vm0, $0xb8;
	[tilespmem:$0x10080] =	vst v63  }
0xac: {  	_ = 	snop  }
0xad: {  	[tilespmem:s15], [sflag:$0x1] =	stream.indirect_vreg.gather [hbm4b:s5+s2], $0x80, v3, vm0, $0xb8;
	[tilespmem:$0x10080] =	vst v63  }
0xae: {  	_ = 	snop  }
0xaf: {  	[tilespmem:s16], [sflag:$0x1] =	stream.indirect_vreg.gather [hbm4b:s6+s2], $0x80, v3, vm0, $0xb8;
	[tilespmem:$0x10080] =	vst v63  }
0xb0: {  	s22 =	rddreg [dreg:$0x7]  }
0xb1: {  	[hbm4b:s22+s2] =	stream.linear.scatter [tilespmem:s25], [sflag:$0x4], $0x8000, $0x38;
	[tilespmem:$0x10080] =	vst v63  }
0xb2: {  	_ =	swait.ge [sflag:s0], $0x8000  }
0xb3: {  	[sflag:s0] =	ssyncset.done $0x0  }
0xb4: {  	[sflag:s0] =	ssyncadd.s32 $0xFFFF8000  }
0xb5: {  	_ =	swait.ge [sflag:s21], $0x8000  }
0xb6: {  	[sflag:s21] =	ssyncset.done $0x0  }
0xb7: {  	s0 =	rddreg [dreg:$0x8];
	[sflag:s21] =	ssyncadd.s32 $0xFFFF8000  }
0xb8: {  	[tilespmem:s2], [sflag:$0x5] =	stream.linear.gather [hbm4b:s0+s2], $0x20, $0x38;
	[tilespmem:$0x10080] =	vst v63  }
0xb9: {  	_ =	swait.ge [sflag:s8], $0x20  }
0xba: {  	[sflag:s8] =	ssyncset.done $0x0  }
0xbb: {  	[sflag:s8] =	ssyncadd.s32 $0xFFFFFFE0  }
0xbc: {  	v3 =	vld [tilespmem:$0x0];
	_ =	sdelay $0x4  }
0xbd: {  	v62 =	vshll.u32 v3, $0x3  }
0xbe: {  	v3 =	vand.u32 $0x7, v3;
	v4 =	vand.u32 $0xFFFFFFC0, v62  }
0xbf: {  	v3 =	vor.u32 v3, v4  }
0xc0: {  	v4 =	vperm.xlane v3, v0;
	_ =	sdelay $0x1  }
0xc1: {  	v4 =	vadd.s32 v1, v4;
	_ =	sdelay $0x4  }
0xc2: {  	[tilespmem:s25], [sflag:$0x2] =	stream.indirect_vreg.gather [hbm4b:s3+s2], $0x80, v4, vm0, $0xb8;
	[tilespmem:$0x10080] =	vst v63  }
0xc3: {  	s22 =	simm.s32 $0x8880;
	v3 =	vperm.xlane v3, v2  }
0xc4: {  	[tilespmem:s22], [sflag:$0x2] =	stream.indirect_vreg.gather [hbm4b:s4+s2], $0x80, v4, vm0, $0xb8;
	[tilespmem:$0x10080] =	vst v63  }
0xc5: {  	v3 =	vadd.s32 v1, v3  }
0xc6: {  	[tilespmem:s18], [sflag:$0x2] =	stream.indirect_vreg.gather [hbm4b:s5+s2], $0x80, v4, vm0, $0xb8;
	[tilespmem:$0x10080] =	vst v63  }
0xc7: {  	s22 =	simm.s32 $0x9880  }
0xc8: {  	[tilespmem:s22], [sflag:$0x2] =	stream.indirect_vreg.gather [hbm4b:s6+s2], $0x80, v4, vm0, $0xb8;
	[tilespmem:$0x10080] =	vst v63  }
0xc9: {  	s22 =	simm.s32 $0xA080  }
0xca: {  	[tilespmem:s22], [sflag:$0x2] =	stream.indirect_vreg.gather [hbm4b:s3+s2], $0x80, v3, vm0, $0xb8;
	[tilespmem:$0x10080] =	vst v63  }
0xcb: {  	s22 =	simm.s32 $0xA880  }
0xcc: {  	[tilespmem:s22], [sflag:$0x2] =	stream.indirect_vreg.gather [hbm4b:s4+s2], $0x80, v3, vm0, $0xb8;
	[tilespmem:$0x10080] =	vst v63  }
0xcd: {  	s22 =	simm.s32 $0xB080  }
0xce: {  	[tilespmem:s22], [sflag:$0x2] =	stream.indirect_vreg.gather [hbm4b:s5+s2], $0x80, v3, vm0, $0xb8;
	[tilespmem:$0x10080] =	vst v63  }
0xcf: {  	s22 =	simm.s32 $0xB880  }
0xd0: {  	[tilespmem:s22], [sflag:$0x2] =	stream.indirect_vreg.gather [hbm4b:s6+s2], $0x80, v3, vm0, $0xb8;
	[tilespmem:$0x10080] =	vst v63  }
0xd1: {  	v3 =	vld [tilespmem:$0x10];
	_ =	sdelay $0x4  }
0xd2: {  	v63 =	vshll.u32 v3, $0x3  }
0xd3: {  	v3 =	vand.u32 $0x7, v3;
	v4 =	vand.u32 $0xFFFFFFC0, v63  }
0xd4: {  	v3 =	vor.u32 v3, v4  }
0xd5: {  	v4 =	vperm.xlane v3, v0;
	_ =	sdelay $0x1  }
0xd6: {  	v4 =	vadd.s32 v1, v4;
	_ =	sdelay $0x3  }
0xd7: {  	s22 =	simm.s32 $0xC080  }
0xd8: {  	[tilespmem:s22], [sflag:$0x2] =	stream.indirect_vreg.gather [hbm4b:s3+s2], $0x80, v4, vm0, $0xb8;
	[tilespmem:$0x10080] =	vst v63  }
0xd9: {  	v3 =	vperm.xlane v3, v2;
	s22 =	simm.s32 $0xC880  }
0xda: {  	[tilespmem:s22], [sflag:$0x2] =	stream.indirect_vreg.gather [hbm4b:s4+s2], $0x80, v4, vm0, $0xb8;
	[tilespmem:$0x10080] =	vst v63  }
0xdb: {  	v3 =	vadd.s32 v1, v3;
	s22 =	simm.s32 $0xD080  }
0xdc: {  	[tilespmem:s22], [sflag:$0x2] =	stream.indirect_vreg.gather [hbm4b:s5+s2], $0x80, v4, vm0, $0xb8;
	[tilespmem:$0x10080] =	vst v63  }
0xdd: {  	s22 =	simm.s32 $0xD880  }
0xde: {  	[tilespmem:s22], [sflag:$0x2] =	stream.indirect_vreg.gather [hbm4b:s6+s2], $0x80, v4, vm0, $0xb8;
	[tilespmem:$0x10080] =	vst v63  }
0xdf: {  	s22 =	simm.s32 $0xE080  }
0xe0: {  	[tilespmem:s22], [sflag:$0x2] =	stream.indirect_vreg.gather [hbm4b:s3+s2], $0x80, v3, vm0, $0xb8;
	[tilespmem:$0x10080] =	vst v63  }
0xe1: {  	s22 =	simm.s32 $0xE880  }
0xe2: {  	[tilespmem:s22], [sflag:$0x2] =	stream.indirect_vreg.gather [hbm4b:s4+s2], $0x80, v3, vm0, $0xb8;
	[tilespmem:$0x10080] =	vst v63  }
0xe3: {  	s22 =	simm.s32 $0xF080  }
0xe4: {  	[tilespmem:s22], [sflag:$0x2] =	stream.indirect_vreg.gather [hbm4b:s5+s2], $0x80, v3, vm0, $0xb8;
	[tilespmem:$0x10080] =	vst v63  }
0xe5: {  	s17 =	simm.s32 $0xF880  }
0xe6: {  	[tilespmem:s17], [sflag:$0x2] =	stream.indirect_vreg.gather [hbm4b:s6+s2], $0x80, v3, vm0, $0xb8;
	[tilespmem:$0x10080] =	vst v63  }
0xe7: {  	s0 =	rddreg [dreg:$0x9]  }
0xe8: {  	[hbm4b:s0+s2] =	stream.linear.scatter [tilespmem:s26], [sflag:$0x3], $0x8000, $0x38;
	[tilespmem:$0x10080] =	vst v63  }
0xe9: {  	_ =	swait.ge [sflag:s19], $0x8000  }
0xea: {  	[sflag:s19] =	ssyncset.done $0x0  }
0xeb: {  	s17 =	rddreg [dreg:$0xa];
	[sflag:s19] =	ssyncadd.s32 $0xFFFF8000  }
0xec: {  	[hbm4b:s17+s2] =	stream.linear.scatter [tilespmem:s25], [sflag:$0x4], $0x8000, $0x38;
	[tilespmem:$0x10080] =	vst v63  }
0xed: {  	p0 =	sne.s32 s7, $0x1;
	_ =	swait.ge [sflag:s21], $0x8000  }
.Ltmp0:
0xee: {  	[sflag:s21] =	ssyncset.done $0x0;
	(pc) =	sbr.rel @p0 .LBB2_1-.Ltmp0, $4  }
0xef: {  	[sflag:s21] =	ssyncadd.s32 $0xFFFF8000  }
0xf0: {  	_ =	swait.ge [sflag:s20], $0x8000  }
0xf1: {  	[sflag:s20] =	ssyncset.done $0x0  }
0xf2: {  	s7 =	sadd.s32 $0xFFFFFFFF, s7;
	[sflag:s20] =	ssyncadd.s32 $0xFFFF8000  }
0xf3: {  	_ =	sfence.sel $0x180000  }
0xf4: {  	[bflag:$0x0] =	sbarrier.arrive $0xFFFF  }
0xf5: {  	_ =	strace $0x9000004D  }
0xf6: {  	s0 =	stileid.u32;
	[bflag:$0x2] =	sbarrier.arrive $0xFFFF  }
0xf7: {  	p0 =	sne.s32 s0, $0x0;
	s0 =	rddreg [dreg:$0x2]  }
0xf8: {  	s0 =	sadd.s32 @!p0 $0x100000, s0  }
0xf9: {  	[sflag:s0] =	ssyncadd.tile.s32 @!p0 $0x1;
	_ =	shalt  }
.Lfunc_end2:
_tile_overlayer_lowered:
.L_overlay_start_2:
0xfa: {  	(tag) =	ssettag $0x2  }
0xfb: {  	s0 =	rddreg [dreg:$0x0];
	s2 =	stileid.u32  }
0xfc: {  	s1 =	rddreg [dreg:$0x1];
	p0 =	sne.s32 s2, $0x0  }
0xfd: {  	s3 =	rddreg [dreg:$0x2];
	[bflag:$0x3] =	sbarrier.arrive $0xFFFF;
	s2 =	simm.s32 @!p0 $0x1C05  }
0xfe: {  	[timem:s3], [sflag:s2] =	dma.local @!p0 [hbm:s0], s1  }
0xff: {  	s0 =	simm.s32 @!p0 $0x5  }
0x100: {  	_ =	swait.ge @!p0 [sflag:s0], s1  }
0x101: {  	s1 =	ssub.s32 @!p0 $0x0, s1;
	[sflag:s0] =	ssyncset.done @!p0 $0x0  }
0x102: {  	[sflag:s0] =	ssyncadd.s32 @!p0 s1  }
0x103: {  	[bflag:$0x3] =	sbarrier.arrive $0xFFFF  }
0x104: {  	_ =	shalt  }

// kernel: kernel.7.cloned.1.call-start
scs
__scs_entry_jumppad:
0x0: {  	(pc) =	sbr.rel $0x88, $3  }
0x1: {  	(tag) =	ssettag $0x0;
	lr =	simm.s32 $0x1  }
0x2: {  	[smem:$0x3F9D] =	sst lr;
	_ =	strace $0xD0000000  }
0x3: {  	_ = 	snop  }
0x4: {  	_ = 	snop  }
0x5: {  	_ = 	snop  }
0x6: {  	_ = 	snop  }
0x7: {  	_ = 	snop  }
__scs_overlays_trampoline_lowered:
0x8: {  	[smem:$0x3FAC] =	sst s0  }
0x9: {  	[smem:$0x3FAD] =	sst s1  }
0xa: {  	[smem:$0x3FAE] =	sst s2  }
0xb: {  	[smem:$0x3FAF] =	sst s3  }
0xc: {  	[smem:$0x3FB0] =	sst s4  }
0xd: {  	[smem:$0x3FB1] =	sst s5  }
0xe: {  	[smem:$0x3FB2] =	sst s6  }
0xf: {  	[smem:$0x3FB3] =	sst s7  }
0x10: {  	[smem:$0x3FB4] =	sst s8  }
0x11: {  	[smem:$0x3FB5] =	sst s9;
	s0 =	simm.s32 @!p0 $0x0  }
0x12: {  	s1 =	sld [smem:$0x3F9B];
	s0 =	simm.s32 @p0 $0x1  }
0x13: {  	[smem:$0x3FB6] =	sst s0;
	s0 =	simm.s32 @!p1 $0x0  }
0x14: {  	s2 =	sld [smem:$0x3F9A];
	s0 =	simm.s32 @p1 $0x1  }
0x15: {  	[smem:$0x3FB7] =	sst s0;
	s0 =	simm.s32 @!p2 $0x0  }
0x16: {  	s3 =	sld [smem:$0x3FDB];
	s0 =	simm.s32 @p2 $0x1  }
0x17: {  	s4 =	simm.s32 $0x1BF5;
	[smem:$0x3FB9] =	sst s0  }
0x18: {  	s0 =	sld [smem:$0x3F9C];
	_ =	swait.ge [sflag:s4], $0x0  }
0x19: {  	s7 =	sld [smem:$0x3F9D]  }
0x1a: {  	s8 =	sadd.s32 $0xFFFFE003, lr  }
0x1b: {  	s9 =	sadd.s32 $0xFFFFFEF7, lr;
	s5 =	simm.s32 $0xFFFFFFFF;
	p2 =	slt.u32 s8, $0xFFFFF086  }
0x1c: {  	p1 =	slt.u32 s9, $0xF7A;
	s5 =	simm.s32 @!p2 $0x0  }
0x1d: {  	s5 =	simm.s32 @p1 $0x1;
	p0 =	seq.s32 s7, s2  }
0x1e: {  	s7 =	smul.u32 @!p0 $0xF7A, s2;
	p2 =	seq.s32 @!p0 s5, $0x0  }
0x1f: {  	s9 =	smul.u32 $0xF7A, s1;
	s8 =	simm.s32 @!p0 $0x1BF5;
	p2 =	por !p2, p0  }
0x20: {  	[sflag:s8] =	ssyncset.s32 @!p0 $0xFFFFF086;
	s6 =	sadd.s32 @!p0 s3, s7;
	s7 =	simm.s32 @!p0 $0x108  }
0x21: {  	s3 =	sadd.s32 s3, s9;
	s6 =	sadd.s32 @!p0 $0x88, s6;
	s7 =	simm.s32 @p2 $0x1082  }
0x22: {  	[simem:s7], [sflag:s8] =	dma.local @!p0 [hbm:s6], $0xF7A  }
0x23: {  	s9 =	sor.u32 $0xD0000000, s2;
	s6 =	simm.s32 $0x108;
	_ =	swait.ge @!p0 [sflag:s8], $0x0  }
0x24: {  	s3 =	sadd.s32 $0x88, s3;
	s6 =	simm.s32 @!p1 $0x1082;
	[sflag:s4] =	ssyncset.s32 $0xFFFFF086  }
0x25: {  	[simem:s6], [sflag:s4] =	dma.local [hbm:s3], $0xF7A  }
0x26: {  	[smem:$0x3F9D] =	sst s1;
	(tag) =	ssettag s2;
	_ =	strace s9  }
0x27: {  	s1 =	sld [smem:$0x3FAD]  }
0x28: {  	s2 =	sld [smem:$0x3FAE]  }
0x29: {  	s4 =	sld [smem:$0x3FB0]  }
0x2a: {  	p0 =	seq.s32 s5, $0x0;
	s5 =	sld [smem:$0x3FB1]  }
0x2b: {  	s6 =	sld [smem:$0x3FB2]  }
0x2c: {  	s7 =	sld [smem:$0x3FB3]  }
0x2d: {  	s3 =	simm.s32 $0x108;
	s8 =	sld [smem:$0x3FB4]  }
0x2e: {  	s3 =	simm.s32 @!p0 $0x1082;
	s9 =	sld [smem:$0x3FB5]  }
0x2f: {  	lr =	sadd.s32 s0, s3;
	s0 =	sld [smem:$0x3FAC]  }
0x30: {  	s3 =	sld [smem:$0x3FAF]  }
0x31: {  	[smem:$0x3FB8] =	sst s10  }
0x32: {  	s10 =	sld [smem:$0x3FB6];
	_ =	sdelay $0x3  }
0x33: {  	p0 =	seq.s32 s10, $0x1;
	s10 =	sld [smem:$0x3FB8];
	_ =	sdelay $0x3  }
0x34: {  	[smem:$0x3FB8] =	sst s10  }
0x35: {  	s10 =	sld [smem:$0x3FB7];
	_ =	sdelay $0x3  }
0x36: {  	p1 =	seq.s32 s10, $0x1;
	s10 =	sld [smem:$0x3FB8];
	_ =	sdelay $0x3  }
0x37: {  	[smem:$0x3FB8] =	sst s10  }
0x38: {  	s10 =	sld [smem:$0x3FB9]  }
0x39: {  	_ = 	snop;
	(pc) =	sbr.ind lr, $3  }
0x3a: {  	_ = 	snop  }
0x3b: {  	_ = 	snop  }
0x3c: {  	p2 =	seq.s32 s10, $0x1;
	s10 =	sld [smem:$0x3FB8]  }
0x3d: {  	_ =	shalt  }
0x3e: {  	_ =	shalt  }
0x3f: {  	_ =	shalt  }
0x40: {  	_ =	shalt  }
0x41: {  	_ =	shalt  }
0x42: {  	_ =	shalt  }
0x43: {  	_ =	shalt  }
0x44: {  	_ =	shalt  }
0x45: {  	_ =	shalt  }
0x46: {  	_ =	shalt  }
0x47: {  	_ =	shalt  }
0x48: {  	_ =	shalt  }
0x49: {  	_ =	shalt  }
0x4a: {  	_ =	shalt  }
0x4b: {  	_ =	shalt  }
0x4c: {  	_ =	shalt  }
0x4d: {  	_ =	shalt  }
0x4e: {  	_ =	shalt  }
0x4f: {  	_ =	shalt  }
0x50: {  	_ =	shalt  }
0x51: {  	_ =	shalt  }
0x52: {  	_ =	shalt  }
0x53: {  	_ =	shalt  }
0x54: {  	_ =	shalt  }
0x55: {  	_ =	shalt  }
0x56: {  	_ =	shalt  }
0x57: {  	_ =	shalt  }
0x58: {  	_ =	shalt  }
0x59: {  	_ =	shalt  }
0x5a: {  	_ =	shalt  }
0x5b: {  	_ =	shalt  }
0x5c: {  	_ =	shalt  }
0x5d: {  	_ =	shalt  }
0x5e: {  	_ =	shalt  }
0x5f: {  	_ =	shalt  }
0x60: {  	_ =	shalt  }
0x61: {  	_ =	shalt  }
0x62: {  	_ =	shalt  }
0x63: {  	_ =	shalt  }
0x64: {  	_ =	shalt  }
0x65: {  	_ =	shalt  }
0x66: {  	_ =	shalt  }
0x67: {  	_ =	shalt  }
0x68: {  	_ =	shalt  }
0x69: {  	_ =	shalt  }
0x6a: {  	_ =	shalt  }
0x6b: {  	_ =	shalt  }
0x6c: {  	_ =	shalt  }
0x6d: {  	_ =	shalt  }
0x6e: {  	_ =	shalt  }
0x6f: {  	_ =	shalt  }
0x70: {  	_ =	shalt  }
0x71: {  	_ =	shalt  }
0x72: {  	_ =	shalt  }
0x73: {  	_ =	shalt  }
0x74: {  	_ =	shalt  }
0x75: {  	_ =	shalt  }
0x76: {  	_ =	shalt  }
0x77: {  	_ =	shalt  }
0x78: {  	_ =	shalt  }
0x79: {  	_ =	shalt  }
0x7a: {  	_ =	shalt  }
0x7b: {  	_ =	shalt  }
0x7c: {  	_ =	shalt  }
0x7d: {  	_ =	shalt  }
0x7e: {  	_ =	shalt  }
0x7f: {  	_ =	shalt  }
0x80: {  	_ =	shalt  }
0x81: {  	_ =	shalt  }
0x82: {  	_ =	shalt  }
0x83: {  	_ =	shalt  }
0x84: {  	_ =	shalt  }
0x85: {  	_ =	shalt  }
0x86: {  	_ =	shalt  }
0x87: {  	_ =	shalt  }
.Lfunc_end0:
.L_simem_size_0:
called_computation_lowered:
.L_overlay_start_0:
0x88: {  	s2 =	sld [smem:$0x3FD9]  }
0x89: {  	s3 =	sld [smem:$0x3FFE];
	_ =	sdelay $0x1  }
0x8a: {  	s1 =	srdreg.scid  }
0x8b: {  	s0 =	sand.u32 $0x1, s1  }
0x8c: {  	s17 =	sshll.u32 s0, $0xA;
	s2 =	sadd.s32 s3, s2  }
0x8d: {  	s2 =	sadd.s32 s2, s17  }
0x8e: {  	[smem:$0x3FC4] =	sst s2  }
0x8f: {  	_ = 	snop  }
0x90: {  	s2 =	sld [smem:$0x3FD0];
	(tm) =	ssettm $0x1  }
0x91: {  	s18 =	sld [smem:$0x3FFB];
	_ =	sdelay $0x3  }
0x92: {  	_ =	strace s18  }
0x93: {  	s3 =	sld [smem:$0x3FFC];
	_ =	sdelay $0x3  }
0x94: {  	_ =	strace s3  }
0x95: {  	s3 =	sld [smem:$0x3FFD];
	_ =	sdelay $0x3  }
0x96: {  	_ =	strace s3  }
0x97: {  	_ =	strace $0x8FFFFFFF  }
0x98: {  	s19 =	sld [smem:$0x3FDB];
	_ =	sdelay $0x1  }
0x99: {  	s4 =	simm.s32 $_scs_section_size  }
0x9a: {  	s5 =	simm.s32 $_size__tile_overlayer_lowered;
	s6 =	simm.s32 $_tile_overlayer_lowered  }
0x9b: {  	s22 =	simm.s32 $0x1BFF;
	s21 =	sshll.u32 s6, $0x1;
	s3 =	sadd.s32 s4, s19  }
0x9c: {  	s7 =	simm.s32 $0x0;
	s20 =	sshll.u32 s5, $0x1;
	s5 =	sadd.s32 s21, s3  }
0x9d: {  	[timem:s7], [sflag:s22] =	dma.local [hbm:s5], s20  }
0x9e: {  	_ =	swait.ge [sflag:s22], s20  }
0x9f: {  	s4 =	ssub.s32 $0x0, s20;
	[sflag:s22] =	ssyncset.done $0x0  }
0xa0: {  	[sflag:s22] =	ssyncadd.s32 s4;
	_ =	sdelay $0x1  }
0xa1: {  	s23 =	simm.s32 $0x1B8B  }
0xa2: {  	_ =	swait.ge [sflag:s23], $0x1  }
0xa3: {  	[sflag:s23] =	ssyncset.done $0x0  }
0xa4: {  	s25 =	simm.s32 $0x1B8E;
	s24 =	sld [smem:$0x3FFE];
	[sflag:s23] =	ssyncadd.s32 $0xFFFFFFFF  }
0xa5: {  	s26 =	simm.s32 $execute0_lowered;
	[smem:$0x3FD2] =	sst s25  }
0xa6: {  	s5 =	sshll.u32 s26, $0x1;
	_ =	strace $0x80000046;
	[dreg:$0x1] =	wrdreg $0xFFFFFFFF  }
0xa7: {  	s28 =	simm.s32 $_size_execute0_lowered;
	s3 =	sadd.s32 s3, s5;
	[dreg:$0x0] =	wrdreg $0x0  }
0xa8: {  	s5 =	sshll.u32 s28, $0x1;
	[dreg:$0x2] =	wrdreg s3  }
0xa9: {  	[dreg:$0x3] =	wrdreg s5  }
0xaa: {  	[dreg:$0x4] =	wrdreg $0xC0  }
0xab: {  	_ =	task [dreg:s7], $0x5FFFF  }
0xac: {  	[dreg:$0x1] =	wrdreg $0xFFFFFFFF  }
0xad: {  	[dreg:$0x0] =	wrdreg $0x60  }
0xae: {  	[dreg:$0x2] =	wrdreg s24  }
0xaf: {  	[dreg:$0x3] =	wrdreg s2  }
0xb0: {  	[dreg:$0x4] =	wrdreg $0x9  }
0xb1: {  	_ =	task.clear_ibuf [dreg:s7], $0x5FFFF;
	_ =	strace $0x90000046  }
0xb2: {  	s29 =	simm.s32 $0x9;
	_ =	strace $0x80000048  }
0xb3: {  	_ =	swait.ge [sflag:s29], $0x1  }
0xb4: {  	[sflag:s29] =	ssyncadd.s32 $0xFFFFFFFF  }
0xb5: {  	_ =	strace $0x90000048  }
0xb6: {  	_ =	sfence  }
0xb7: {  	s30 =	sld [smem:$0x0];
	_ =	sdelay $0x2  }
0xb8: {  	s31 =	sshll.u32 s1, $0xD;
	s1 =	sshrl.u32 s1, $0x2  }
0xb9: {  	s3 =	sand.u32 $0x4000, s31;
	s1 =	sadd.s32 s1, s30  }
0xba: {  	s0 =	sor.u32 s3, s0;
	s1 =	sshll.u32 s1, $0x11  }
0xbb: {  	s0 =	sor.u32 s1, s0  }
0xbc: {  	s0 =	sadd.s32 $0x8F2B, s0  }
0xbd: {  	[sflag:s0] =	ssyncadd.remote.s32 $0x1  }
0xbe: {  	_ =	sfence.sel $0xFFFF  }
0xbf: {  	[dreg:$0x0] =	wrdreg $0xFFFFFFFF;
	(pc) =	sbr.abs _section_cstart, $3  }
0xc0: {  	[dreg:$0x1] =	wrdreg $0xFFFFFFFF  }
0xc1: {  	_ =	task.clear_ibuf [dreg:s7], $0x2FFFF;
	_ =	strace $0x9FFFFFFF  }
0xc2: {  	(tm) =	ssettm $0x7FFFFFFF  }
0xc3: {  	_ =	shalt  }
tec
execute0_lowered:
.L_overlay_start_1:
0x0: {  	(tag) =	ssettag $0x1  }
0x1: {  	s0 =	srdreg.scid  }
0x2: {  	s3 =	sand.u32 $0x1, s0;
	s0 =	stileid.u32  }
0x3: {  	s4 =	sshll.u32 s0, $0x1;
	s6 =	ssub.s32 $0x0, s3  }
0x4: {  	p0 =	sne.s32 s4, s6  }
.Ltmp0:
0x5: {  	_ = 	snop;
	(pc) =	sbr.rel @p0 .LBB2_7-.Ltmp0, $4  }
0x6: {  	_ = 	snop  }
0x7: {  	s5 =	rddreg [dreg:$0x0]  }
0x8: {  	s2 =	rddreg [dreg:$0x1]  }
0x9: {  	s1 =	rddreg [dreg:$0x2];
	_ =	strace $0x80000047  }
0xa: {  	s4 =	ssub.s32 $0x2, s3  }
0xb: {  	s3 =	sadd.s32 $0x1A00, s5;
	s7 =	simm.s32 $0x0;
	s8 =	simm.s32 $0x1  }
0xc: {  	s9 =	simm.s32 $0x1000;
	s10 =	simm.s32 $0x2000;
	s6 =	sshrl.u32 s4, $0x1  }
0xd: {  	s11 =	simm.s32 $0x4100;
	s12 =	simm.s32 $0x0;
	s6 =	ssub.s32 s4, s6  }
0xe: {  	v0 =	vlaneseq.u32;
	v1 =	vimm.f32 $0.0e+00;
	s4 =	sadd.s32 $0x1C00, s5;
	s5 =	sadd.s32 $0x1E00, s5;
	s6 =	smax.u32 s6, $0x1  }
.LBB2_2:
0xf: {  	[tilespmem:s7], [sflag:$0x1] =	stream.linear.gather [hbm4b:s3+s7], $0x1000, $0x38;
	[tilespmem:$0x6200] =	vst v63  }
0x10: {  	_ =	swait.ge [sflag:s8], $0x1000  }
0x11: {  	[sflag:s8] =	ssyncset.done $0x0  }
0x12: {  	[sflag:s8] =	ssyncadd.s32 $0xFFFFF000  }
0x13: {  	[tilespmem:s9], [sflag:$0x1] =	stream.linear.gather [hbm4b:s4+s7], $0x1000, $0x38;
	[tilespmem:$0x6200] =	vst v63  }
0x14: {  	_ =	swait.ge [sflag:s8], $0x1000  }
0x15: {  	s13 =	simm.s32 $0x4100;
	[sflag:s8] =	ssyncset.done $0x0  }
0x16: {  	s14 =	simm.s32 $0x2000;
	s15 =	simm.s32 $0x0;
	[sflag:s8] =	ssyncadd.s32 $0xFFFFF000  }
.LBB2_3:
0x17: {  	p0 =	sne.s32 s15, $0x20F0  }
.Ltmp1:
0x18: {  	_ = 	snop;
	(pc) =	sbr.rel @p0 .LBB2_3-.Ltmp1, $4  }
0x19: {  	v2 =	vor.u32 s15, v0  }
0x1a: {  	v2 =	vand.u32 $0xFFF, v2  }
0x1b: {  	[tilespmem:s14+$0x0] =	vst v2  }
0x1c: {  	s15 =	sadd.s32 $0x10, s15;
	s14 =	sadd.s32 $0x10, s14;
	[tilespmem:s13+$0x0] =	vst v1;
	s13 =	sadd.s32 $0x10, s13  }
0x1d: {  	s14 =	simm.s32 $0x0  }
0x1e: {  	v2 =	vld [tilespmem:s14+$0x0];
	_ =	sdelay $0x4  }
0x1f: {  	vm0 =	vlt.s32 v2, $0x2000  }
0x20: {  	s13 =	simm.s32 $0x1000  }
0x21: {  	v3 =	vld [tilespmem:s13+$0x0];
	_ =	sdelay $0x2  }
0x22: {  	v4 =	vor.u32 s14, v0  }
0x23: {  	[tilespmem:v2+s10+$0x0] =	vst.idx.msk vm0, v4  }
0x24: {  	s14 =	simm.s32 $0x10;
	[tilespmem:v2+s11+$0x0] =	vst.idx.msk vm0, v3  }
0x25: {  	v2 =	vld [tilespmem:s14+$0x0]  }
0x26: {  	s15 =	simm.s32 $0x20;
	s16 =	simm.s32 $0x10  }
.LBB2_5:
0x27: {  	p0 =	sne.s32 s15, $0xFF0;
	_ =	sdelay $0x2  }
0x28: {  	vm0 =	vlt.s32 v2, $0x2000  }
0x29: {  	s13 =	sadd.s32 $0x10, s13  }
0x2a: {  	v3 =	vld [tilespmem:s13+$0x0];
	_ =	sdelay $0x2  }
.Ltmp2:
0x2b: {  	v4 =	vor.u32 s14, v0;
	s14 =	smov.u32 s15;
	(pc) =	sbr.rel @p0 .LBB2_5-.Ltmp2, $4  }
0x2c: {  	[tilespmem:v2+s10+$0x0] =	vst.idx.msk vm0, v4  }
0x2d: {  	s16 =	sadd.s32 $0x10, s16;
	[tilespmem:v2+s11+$0x0] =	vst.idx.msk vm0, v3  }
0x2e: {  	v2 =	vld [tilespmem:s16+$0x0]  }
0x2f: {  	s15 =	sadd.s32 $0x10, s15  }
0x30: {  	_ =	sdelay $0x2  }
0x31: {  	vm0 =	vlt.s32 v2, $0x2000  }
0x32: {  	s13 =	sadd.s32 $0x10, s13  }
0x33: {  	v3 =	vld [tilespmem:s13+$0x0];
	_ =	sdelay $0x2  }
0x34: {  	v4 =	vor.u32 s14, v0  }
0x35: {  	[tilespmem:v2+s10+$0x0] =	vst.idx.msk vm0, v4  }
0x36: {  	[tilespmem:v2+s11+$0x0] =	vst.idx.msk vm0, v3  }
0x37: {  	[hbm4b:s2+s7] =	stream.linear.scatter [tilespmem:s10], [sflag:$0x1], $0x2100, $0x38;
	[tilespmem:$0x6200] =	vst v63  }
0x38: {  	s12 =	sadd.s32 $0x1, s12;
	_ =	swait.ge [sflag:s8], $0x2100  }
0x39: {  	p0 =	sne.s32 s12, s6;
	[sflag:s8] =	ssyncset.done $0x0  }
.Ltmp3:
0x3a: {  	[sflag:s8] =	ssyncadd.s32 $0xFFFFDF00;
	(pc) =	sbr.rel @p0 .LBB2_2-.Ltmp3, $4  }
0x3b: {  	[hbm4b:s5+s7] =	stream.linear.scatter [tilespmem:s11], [sflag:$0x1], $0x2100, $0x38;
	[tilespmem:$0x6200] =	vst v63  }
0x3c: {  	_ =	swait.ge [sflag:s8], $0x2100  }
0x3d: {  	[sflag:s8] =	ssyncset.done $0x0  }
0x3e: {  	[sflag:s8] =	ssyncadd.s32 $0xFFFFDF00  }
.LBB2_7:
0x3f: {  	_ =	sfence.sel $0x180000  }
0x40: {  	[bflag:$0x0] =	sbarrier.arrive $0xFFFF  }
0x41: {  	p0 =	sne.s32 s0, $0x0;
	_ =	strace $0x90000047  }
0x42: {  	s0 =	sadd.s32 @!p0 $0x100000, s1;
	[bflag:$0x2] =	sbarrier.arrive $0xFFFF  }
0x43: {  	[sflag:s0] =	ssyncadd.tile.s32 @!p0 $0x1;
	_ =	shalt  }
.Lfunc_end2:
_tile_overlayer_lowered:
.L_overlay_start_2:
0x44: {  	(tag) =	ssettag $0x2  }
0x45: {  	s0 =	rddreg [dreg:$0x0];
	s2 =	stileid.u32  }
0x46: {  	s1 =	rddreg [dreg:$0x1];
	p0 =	sne.s32 s2, $0x0  }
0x47: {  	s3 =	rddreg [dreg:$0x2];
	[bflag:$0x3] =	sbarrier.arrive $0xFFFF;
	s2 =	simm.s32 @!p0 $0x1C01  }
0x48: {  	[timem:s3], [sflag:s2] =	dma.local @!p0 [hbm:s0], s1  }
0x49: {  	s0 =	simm.s32 @!p0 $0x1  }
0x4a: {  	_ =	swait.ge @!p0 [sflag:s0], s1  }
0x4b: {  	s1 =	ssub.s32 @!p0 $0x0, s1;
	[sflag:s0] =	ssyncset.done @!p0 $0x0  }
0x4c: {  	[sflag:s0] =	ssyncadd.s32 @!p0 s1  }
0x4d: {  	[bflag:$0x3] =	sbarrier.arrive $0xFFFF  }
0x4e: {  	_ =	shalt  }

</sc_bundles>
